<compile_context>
chip_gen: v7x
topology: tpu7x:2x2x1
jax: 0.10.2.dev20260603
libtpu: 0.0.44.dev20260713+nightly
codegen_flags: <defaults>
</compile_context>

<pallas_src>
import functools

import jax
import jax.numpy as jnp
from jax import lax
from jax.experimental import pallas as pl
from jax.experimental.pallas import tpu as pltpu
from jax.experimental.pallas import tpu_sc as plsc

EMBED = 64
NUM_WORKERS = 32
CHUNK = 800
NBUF = 2


def _gather_call(n_batch, n_hist, idx_flat, table):
    n_total = n_batch * n_hist
    b_per_w = n_total // NUM_WORKERS
    n_chunks = b_per_w // CHUNK
    n_groups = n_chunks // NBUF
    mesh = plsc.VectorSubcoreMesh(core_axis_name="c", subcore_axis_name="s")

    @functools.partial(
        pl.kernel,
        mesh=mesh,
        out_type=jax.ShapeDtypeStruct((n_batch, n_hist, 2 * EMBED), jnp.float32),
        scratch_types=[
            pltpu.VMEM((b_per_w,), jnp.int32),
            pltpu.VMEM((NBUF, CHUNK, EMBED), jnp.float32),
        ] + [pltpu.SemaphoreType.DMA] * (2 * NBUF),
        compiler_params=pltpu.CompilerParams(use_tc_tiling_on_sc=False),
    )
    def grab(idx_hbm, tab_hbm, out_hbm, idx_v, rows_v, *sems):
        gsem = sems[:NBUF]
        ssem = sems[NBUF:]
        wid = lax.axis_index("s") * 2 + lax.axis_index("c")
        base = wid * b_per_w

        pltpu.sync_copy(idx_hbm.at[pl.ds(base, b_per_w)], idx_v)

        nb = CHUNK // 200
        b0 = wid * (b_per_w // 200)

        def start_gather(i, b):
            pltpu.async_copy(
                tab_hbm.at[idx_v.at[pl.ds(i * CHUNK, CHUNK)]],
                rows_v.at[b], gsem[b])

        def wait_gather(b):
            pltpu.make_async_copy(
                tab_hbm.at[idx_v.at[pl.ds(0, CHUNK)]], rows_v.at[b],
                gsem[b]).wait()

        def start_store(i, b):
            for k in range(nb):
                pltpu.async_copy(
                    rows_v.at[b, pl.ds(k * n_hist, n_hist)],
                    out_hbm.at[b0 + i * nb + k, :, pl.ds(0, EMBED)], ssem[b])

        def wait_store(b):
            for k in range(nb):
                pltpu.make_async_copy(
                    rows_v.at[b, pl.ds(k * n_hist, n_hist)],
                    out_hbm.at[b0 + k, :, pl.ds(0, EMBED)], ssem[b]).wait()

        for b in range(NBUF):
            start_gather(b, b)

        def body(j, carry):
            i0 = j * NBUF
            for b in range(NBUF):
                i = i0 + b
                wait_gather(b)
                start_store(i, b)
                @pl.when(i + NBUF < n_chunks)
                def _():
                    wait_store(b)
                    start_gather(i + NBUF, b)
            return carry

        lax.fori_loop(0, n_groups, body, 0)
        for b in range(NBUF):
            wait_store(b)

    return grab(idx_flat, table)


def kernel(input, table):
    b, h = input.shape
    idx_flat = input.reshape(b * h).astype(jnp.int32)
    out_p = _gather_call(b, h, idx_flat, table)
    return out_p[:, :, :EMBED]

# --- scband reference (transcript-rebuilt; emitter-appended) ---
"""Pipeline reference for scband-embedding-packable-63075889709581 (READ-ONLY COPY).

The authoritative reference and input builder live on the scoring server;
editing this copy changes nothing except your own understanding.
"""

import jax, jax.numpy as jnp
import numpy as np

VOCAB = 1000000
EMBED_DIM = 64
BATCH = 4096
HIST = 200

def setup_inputs(seed: int = 0) -> dict:
    key = jax.random.key(seed)
    k_idx, k_tab = jax.random.split(key)
    input_ids = jax.random.randint(k_idx, (BATCH, HIST), 0, VOCAB, dtype=jnp.int64 if jax.config.read('jax_enable_x64') else jnp.int32)
    table = jax.random.normal(k_tab, (VOCAB, EMBED_DIM), dtype=jnp.float32)
    return {"input": input_ids, "table": table}

def reference(input, table):
    # EmbeddingPackable with a plain (non-packed) tensor input just calls the
    # underlying nn.Embedding: a row-gather from the table.
    return jnp.take(table, input, axis=0)

if __name__ == "__main__":
    import jax
    _d = setup_inputs()
    print(jax.jit(kernel)(*tuple(_d.values())))

</pallas_src>

<mosaic_0001>
#map = affine_map<(d0, d1) -> (0)>
#map1 = affine_map<(d0, d1) -> (0, 0)>
#map2 = affine_map<(d0, d1) -> (0, 0, 0)>
module attributes {stable_mosaic.version = 14 : i64} {
  func.func @grab(%arg0: i32, %arg1: i32, %arg2: memref<819200xi32, #tpu.memory_space<hbm>>, %arg3: memref<1000000x64xf32, #tpu.memory_space<hbm>>, %arg4: memref<4096x200x128xf32, #tpu.memory_space<hbm>>, %arg5: memref<25600xi32, #tpu.memory_space<vmem>>, %arg6: memref<2x800x64xf32, #tpu.memory_space<vmem>>, %arg7: memref<!tpu.dma_semaphore, #tpu.memory_space<semaphore_mem>>, %arg8: memref<!tpu.dma_semaphore, #tpu.memory_space<semaphore_mem>>, %arg9: memref<!tpu.dma_semaphore, #tpu.memory_space<semaphore_mem>>, %arg10: memref<!tpu.dma_semaphore, #tpu.memory_space<semaphore_mem>>) attributes {dimension_semantics = [#tpu.dimension_semantics<core_parallel>, #tpu.dimension_semantics<subcore_parallel>], iteration_bounds = array<i64: 2, 16>, scalar_prefetch = 0 : i64, scratch_operands = 6 : i64, tpu.core_type = #tpu.core_type<sc_vector_subcore>, window_params = [{transform_indices = #map}, {transform_indices = #map1}, {transform_indices = #map2}]} {
    %mul3A = arith.constant 2 : i32
    %mul3A_0 = arith.muli %arg1, %mul3A : i32
    %add3A = arith.addi %mul3A_0, %arg0 : i32
    %mul3A_1 = arith.constant 25600 : i32
    %mul3A_2 = arith.muli %add3A, %mul3A_1 : i32
    "tpu.region"() ({
      %run_scoped3A = tpu.sem_alloc : memref<!tpu.dma_semaphore, #tpu.memory_space<semaphore_mem>>
      %dma_start3A_180 = tpu.memref_slice %arg2[%mul3A_2] : memref<819200xi32, #tpu.memory_space<hbm>> -> memref<25600xi32, #tpu.memory_space<hbm>>
      %dma_start3A_181 = tpu.memref_slice %arg2[%mul3A_2] : memref<819200xi32, #tpu.memory_space<hbm>> -> memref<25600xi32, #tpu.memory_space<hbm>>
      tpu.enqueue_dma source(%dma_start3A_181 : memref<25600xi32, #tpu.memory_space<hbm>>) target(%arg5 : memref<25600xi32, #tpu.memory_space<vmem>>) target_semaphore(%run_scoped3A : memref<!tpu.dma_semaphore, #tpu.memory_space<semaphore_mem>>)
      %dma_wait3A_182 = tpu.memref_slice %arg2[%mul3A_2] : memref<819200xi32, #tpu.memory_space<hbm>> -> memref<25600xi32, #tpu.memory_space<hbm>>
      %dma_wait3A_183 = tpu.memref_slice %arg2[%mul3A_2] : memref<819200xi32, #tpu.memory_space<hbm>> -> memref<25600xi32, #tpu.memory_space<hbm>>
      tpu.wait_dma2 semaphore(%run_scoped3A : memref<!tpu.dma_semaphore, #tpu.memory_space<semaphore_mem>>) src(%dma_wait3A_183 : memref<25600xi32, #tpu.memory_space<hbm>>) dst(%arg5 : memref<25600xi32, #tpu.memory_space<vmem>>)
      tpu.yield
    }) : () -> ()
    %mul3A_3 = arith.constant 128 : i32
    %mul3A_4 = arith.muli %add3A, %mul3A_3 : i32
    %dma_start3A = arith.constant 0 : i32
    %dma_start3A_5 = arith.constant 0 : i32
    %dma_start3A_6 = arith.constant 0 : i32
    %dma_start3A_7 = tpu.memref_slice %arg6[%dma_start3A, %dma_start3A_5, %dma_start3A_6] : memref<2x800x64xf32, #tpu.memory_space<vmem>> -> memref<1x800x64xf32, #tpu.memory_space<vmem>>
    %dma_start3A_8 = tpu.memref_squeeze %dma_start3A_7 : memref<1x800x64xf32, #tpu.memory_space<vmem>> -> memref<800x64xf32, #tpu.memory_space<vmem>>
    %dma_start3A_9 = arith.constant 0 : i32
    %dma_start3A_10 = tpu.memref_slice %arg5[%dma_start3A_9] : memref<25600xi32, #tpu.memory_space<vmem>> -> memref<800xi32, #tpu.memory_space<vmem>>
    %dma_start3A_11 = arith.constant 0 : i32
    %dma_start3A_12 = arith.constant 0 : i32
    %dma_start3A_13 = tpu.memref_slice %arg3[%dma_start3A_11, %dma_start3A_12] : memref<1000000x64xf32, #tpu.memory_space<hbm>> -> memref<1000000x64xf32, #tpu.memory_space<hbm>>
    tpu.enqueue_indirect_dma source(%dma_start3A_13 : memref<1000000x64xf32, #tpu.memory_space<hbm>>) target(%dma_start3A_8 : memref<800x64xf32, #tpu.memory_space<vmem>>) offsets(%dma_start3A_10 : memref<800xi32, #tpu.memory_space<vmem>>) semaphore(%arg7 : memref<!tpu.dma_semaphore, #tpu.memory_space<semaphore_mem>>)
    %dma_start3A_14 = arith.constant 1 : i32
    %dma_start3A_15 = arith.constant 0 : i32
    %dma_start3A_16 = arith.constant 0 : i32
    %dma_start3A_17 = tpu.memref_slice %arg6[%dma_start3A_14, %dma_start3A_15, %dma_start3A_16] : memref<2x800x64xf32, #tpu.memory_space<vmem>> -> memref<1x800x64xf32, #tpu.memory_space<vmem>>
    %dma_start3A_18 = tpu.memref_squeeze %dma_start3A_17 : memref<1x800x64xf32, #tpu.memory_space<vmem>> -> memref<800x64xf32, #tpu.memory_space<vmem>>
    %dma_start3A_19 = arith.constant 800 : i32
    %dma_start3A_20 = tpu.memref_slice %arg5[%dma_start3A_19] : memref<25600xi32, #tpu.memory_space<vmem>> -> memref<800xi32, #tpu.memory_space<vmem>>
    %dma_start3A_21 = arith.constant 0 : i32
    %dma_start3A_22 = arith.constant 0 : i32
    %dma_start3A_23 = tpu.memref_slice %arg3[%dma_start3A_21, %dma_start3A_22] : memref<1000000x64xf32, #tpu.memory_space<hbm>> -> memref<1000000x64xf32, #tpu.memory_space<hbm>>
    tpu.enqueue_indirect_dma source(%dma_start3A_23 : memref<1000000x64xf32, #tpu.memory_space<hbm>>) target(%dma_start3A_18 : memref<800x64xf32, #tpu.memory_space<vmem>>) offsets(%dma_start3A_20 : memref<800xi32, #tpu.memory_space<vmem>>) semaphore(%arg8 : memref<!tpu.dma_semaphore, #tpu.memory_space<semaphore_mem>>)
    %scan3A = arith.constant 0 : i32
    %scan3A_24 = arith.constant 0 : i32
    %scan3A_25 = arith.constant 16 : i32
    %scan3A_26 = arith.addi %scan3A_24, %scan3A_25 : i32
    %scan3A_27 = arith.constant 1 : i32
    scf.for %scan3A_180 = %scan3A_24 to %scan3A_26 step %scan3A_27  : i32 {
      %mul3A_181 = arith.constant 2 : i32
      %mul3A_182 = arith.muli %scan3A_180, %mul3A_181 : i32
      %add3A_183 = arith.constant 0 : i32
      %add3A_184 = arith.addi %mul3A_182, %add3A_183 : i32
      %dma_wait3A_185 = arith.constant 0 : i32
      %dma_wait3A_186 = arith.constant 0 : i32
      %dma_wait3A_187 = arith.constant 0 : i32
      %dma_wait3A_188 = tpu.memref_slice %arg6[%dma_wait3A_185, %dma_wait3A_186, %dma_wait3A_187] : memref<2x800x64xf32, #tpu.memory_space<vmem>> -> memref<1x800x64xf32, #tpu.memory_space<vmem>>
      %dma_wait3A_189 = tpu.memref_squeeze %dma_wait3A_188 : memref<1x800x64xf32, #tpu.memory_space<vmem>> -> memref<800x64xf32, #tpu.memory_space<vmem>>
      %dma_wait3A_190 = arith.constant 0 : i32
      %dma_wait3A_191 = tpu.memref_slice %arg5[%dma_wait3A_190] : memref<25600xi32, #tpu.memory_space<vmem>> -> memref<800xi32, #tpu.memory_space<vmem>>
      %dma_wait3A_192 = arith.constant 0 : i32
      %dma_wait3A_193 = arith.constant 0 : i32
      %dma_wait3A_194 = tpu.memref_slice %arg3[%dma_wait3A_192, %dma_wait3A_193] : memref<1000000x64xf32, #tpu.memory_space<hbm>> -> memref<1000000x64xf32, #tpu.memory_space<hbm>>
      tpu.wait_indirect_dma semaphore(%arg7 : memref<!tpu.dma_semaphore, #tpu.memory_space<semaphore_mem>>) src(%dma_wait3A_194 : memref<1000000x64xf32, #tpu.memory_space<hbm>>) dst(%dma_wait3A_189 : memref<800x64xf32, #tpu.memory_space<vmem>>)
      %mul3A_195 = arith.constant 4 : i32
      %mul3A_196 = arith.muli %add3A_184, %mul3A_195 : i32
      %add3A_197 = arith.addi %mul3A_4, %mul3A_196 : i32
      %add3A_198 = arith.constant 0 : i32
      %add3A_199 = arith.addi %add3A_197, %add3A_198 : i32
      %dma_start3A_200 = arith.constant 0 : i32
      %dma_start3A_201 = arith.constant 0 : i32
      %dma_start3A_202 = arith.constant 0 : i32
      %dma_start3A_203 = tpu.memref_slice %arg6[%dma_start3A_200, %dma_start3A_201, %dma_start3A_202] : memref<2x800x64xf32, #tpu.memory_space<vmem>> -> memref<1x200x64xf32, #tpu.memory_space<vmem>>
      %dma_start3A_204 = tpu.memref_squeeze %dma_start3A_203 : memref<1x200x64xf32, #tpu.memory_space<vmem>> -> memref<200x64xf32, #tpu.memory_space<vmem>>
      %dma_start3A_205 = arith.constant 0 : i32
      %dma_start3A_206 = arith.constant 0 : i32
      %dma_start3A_207 = tpu.memref_slice %arg4[%add3A_199, %dma_start3A_205, %dma_start3A_206] : memref<4096x200x128xf32, #tpu.memory_space<hbm>> -> memref<1x200x64xf32, #tpu.memory_space<hbm>>
      %dma_start3A_208 = tpu.memref_squeeze %dma_start3A_207 : memref<1x200x64xf32, #tpu.memory_space<hbm>> -> memref<200x64xf32, #tpu.memory_space<hbm>>
      %dma_start3A_209 = arith.constant 0 : i32
      %dma_start3A_210 = arith.constant 0 : i32
      %dma_start3A_211 = tpu.memref_slice %arg4[%add3A_199, %dma_start3A_209, %dma_start3A_210] : memref<4096x200x128xf32, #tpu.memory_space<hbm>> -> memref<1x200x64xf32, #tpu.memory_space<hbm>>
      %dma_start3A_212 = tpu.memref_squeeze %dma_start3A_211 : memref<1x200x64xf32, #tpu.memory_space<hbm>> -> memref<200x64xf32, #tpu.memory_space<hbm>>
      %dma_start3A_213 = arith.constant 0 : i32
      %dma_start3A_214 = arith.constant 0 : i32
      %dma_start3A_215 = tpu.memref_slice %arg6[%dma_start3A_200, %dma_start3A_213, %dma_start3A_214] : memref<2x800x64xf32, #tpu.memory_space<vmem>> -> memref<1x200x64xf32, #tpu.memory_space<vmem>>
      %dma_start3A_216 = tpu.memref_squeeze %dma_start3A_215 : memref<1x200x64xf32, #tpu.memory_space<vmem>> -> memref<200x64xf32, #tpu.memory_space<vmem>>
      tpu.enqueue_dma source(%dma_start3A_216 : memref<200x64xf32, #tpu.memory_space<vmem>>) target(%dma_start3A_212 : memref<200x64xf32, #tpu.memory_space<hbm>>) target_semaphore(%arg9 : memref<!tpu.dma_semaphore, #tpu.memory_space<semaphore_mem>>)
      %mul3A_217 = arith.constant 4 : i32
      %mul3A_218 = arith.muli %add3A_184, %mul3A_217 : i32
      %add3A_219 = arith.addi %mul3A_4, %mul3A_218 : i32
      %add3A_220 = arith.constant 1 : i32
      %add3A_221 = arith.addi %add3A_219, %add3A_220 : i32
      %dma_start3A_222 = arith.constant 0 : i32
      %dma_start3A_223 = arith.constant 200 : i32
      %dma_start3A_224 = arith.constant 0 : i32
      %dma_start3A_225 = tpu.memref_slice %arg6[%dma_start3A_222, %dma_start3A_223, %dma_start3A_224] : memref<2x800x64xf32, #tpu.memory_space<vmem>> -> memref<1x200x64xf32, #tpu.memory_space<vmem>>
      %dma_start3A_226 = tpu.memref_squeeze %dma_start3A_225 : memref<1x200x64xf32, #tpu.memory_space<vmem>> -> memref<200x64xf32, #tpu.memory_space<vmem>>
      %dma_start3A_227 = arith.constant 0 : i32
      %dma_start3A_228 = arith.constant 0 : i32
      %dma_start3A_229 = tpu.memref_slice %arg4[%add3A_221, %dma_start3A_227, %dma_start3A_228] : memref<4096x200x128xf32, #tpu.memory_space<hbm>> -> memref<1x200x64xf32, #tpu.memory_space<hbm>>
      %dma_start3A_230 = tpu.memref_squeeze %dma_start3A_229 : memref<1x200x64xf32, #tpu.memory_space<hbm>> -> memref<200x64xf32, #tpu.memory_space<hbm>>
      %dma_start3A_231 = arith.constant 0 : i32
      %dma_start3A_232 = arith.constant 0 : i32
      %dma_start3A_233 = tpu.memref_slice %arg4[%add3A_221, %dma_start3A_231, %dma_start3A_232] : memref<4096x200x128xf32, #tpu.memory_space<hbm>> -> memref<1x200x64xf32, #tpu.memory_space<hbm>>
      %dma_start3A_234 = tpu.memref_squeeze %dma_start3A_233 : memref<1x200x64xf32, #tpu.memory_space<hbm>> -> memref<200x64xf32, #tpu.memory_space<hbm>>
      %dma_start3A_235 = arith.constant 200 : i32
      %dma_start3A_236 = arith.constant 0 : i32
      %dma_start3A_237 = tpu.memref_slice %arg6[%dma_start3A_222, %dma_start3A_235, %dma_start3A_236] : memref<2x800x64xf32, #tpu.memory_space<vmem>> -> memref<1x200x64xf32, #tpu.memory_space<vmem>>
      %dma_start3A_238 = tpu.memref_squeeze %dma_start3A_237 : memref<1x200x64xf32, #tpu.memory_space<vmem>> -> memref<200x64xf32, #tpu.memory_space<vmem>>
      tpu.enqueue_dma source(%dma_start3A_238 : memref<200x64xf32, #tpu.memory_space<vmem>>) target(%dma_start3A_234 : memref<200x64xf32, #tpu.memory_space<hbm>>) target_semaphore(%arg9 : memref<!tpu.dma_semaphore, #tpu.memory_space<semaphore_mem>>)
      %mul3A_239 = arith.constant 4 : i32
      %mul3A_240 = arith.muli %add3A_184, %mul3A_239 : i32
      %add3A_241 = arith.addi %mul3A_4, %mul3A_240 : i32
      %add3A_242 = arith.constant 2 : i32
      %add3A_243 = arith.addi %add3A_241, %add3A_242 : i32
      %dma_start3A_244 = arith.constant 0 : i32
      %dma_start3A_245 = arith.constant 400 : i32
      %dma_start3A_246 = arith.constant 0 : i32
      %dma_start3A_247 = tpu.memref_slice %arg6[%dma_start3A_244, %dma_start3A_245, %dma_start3A_246] : memref<2x800x64xf32, #tpu.memory_space<vmem>> -> memref<1x200x64xf32, #tpu.memory_space<vmem>>
      %dma_start3A_248 = tpu.memref_squeeze %dma_start3A_247 : memref<1x200x64xf32, #tpu.memory_space<vmem>> -> memref<200x64xf32, #tpu.memory_space<vmem>>
      %dma_start3A_249 = arith.constant 0 : i32
      %dma_start3A_250 = arith.constant 0 : i32
      %dma_start3A_251 = tpu.memref_slice %arg4[%add3A_243, %dma_start3A_249, %dma_start3A_250] : memref<4096x200x128xf32, #tpu.memory_space<hbm>> -> memref<1x200x64xf32, #tpu.memory_space<hbm>>
      %dma_start3A_252 = tpu.memref_squeeze %dma_start3A_251 : memref<1x200x64xf32, #tpu.memory_space<hbm>> -> memref<200x64xf32, #tpu.memory_space<hbm>>
      %dma_start3A_253 = arith.constant 0 : i32
      %dma_start3A_254 = arith.constant 0 : i32
      %dma_start3A_255 = tpu.memref_slice %arg4[%add3A_243, %dma_start3A_253, %dma_start3A_254] : memref<4096x200x128xf32, #tpu.memory_space<hbm>> -> memref<1x200x64xf32, #tpu.memory_space<hbm>>
      %dma_start3A_256 = tpu.memref_squeeze %dma_start3A_255 : memref<1x200x64xf32, #tpu.memory_space<hbm>> -> memref<200x64xf32, #tpu.memory_space<hbm>>
      %dma_start3A_257 = arith.constant 400 : i32
      %dma_start3A_258 = arith.constant 0 : i32
      %dma_start3A_259 = tpu.memref_slice %arg6[%dma_start3A_244, %dma_start3A_257, %dma_start3A_258] : memref<2x800x64xf32, #tpu.memory_space<vmem>> -> memref<1x200x64xf32, #tpu.memory_space<vmem>>
      %dma_start3A_260 = tpu.memref_squeeze %dma_start3A_259 : memref<1x200x64xf32, #tpu.memory_space<vmem>> -> memref<200x64xf32, #tpu.memory_space<vmem>>
      tpu.enqueue_dma source(%dma_start3A_260 : memref<200x64xf32, #tpu.memory_space<vmem>>) target(%dma_start3A_256 : memref<200x64xf32, #tpu.memory_space<hbm>>) target_semaphore(%arg9 : memref<!tpu.dma_semaphore, #tpu.memory_space<semaphore_mem>>)
      %mul3A_261 = arith.constant 4 : i32
      %mul3A_262 = arith.muli %add3A_184, %mul3A_261 : i32
      %add3A_263 = arith.addi %mul3A_4, %mul3A_262 : i32
      %add3A_264 = arith.constant 3 : i32
      %add3A_265 = arith.addi %add3A_263, %add3A_264 : i32
      %dma_start3A_266 = arith.constant 0 : i32
      %dma_start3A_267 = arith.constant 600 : i32
      %dma_start3A_268 = arith.constant 0 : i32
      %dma_start3A_269 = tpu.memref_slice %arg6[%dma_start3A_266, %dma_start3A_267, %dma_start3A_268] : memref<2x800x64xf32, #tpu.memory_space<vmem>> -> memref<1x200x64xf32, #tpu.memory_space<vmem>>
      %dma_start3A_270 = tpu.memref_squeeze %dma_start3A_269 : memref<1x200x64xf32, #tpu.memory_space<vmem>> -> memref<200x64xf32, #tpu.memory_space<vmem>>
      %dma_start3A_271 = arith.constant 0 : i32
      %dma_start3A_272 = arith.constant 0 : i32
      %dma_start3A_273 = tpu.memref_slice %arg4[%add3A_265, %dma_start3A_271, %dma_start3A_272] : memref<4096x200x128xf32, #tpu.memory_space<hbm>> -> memref<1x200x64xf32, #tpu.memory_space<hbm>>
      %dma_start3A_274 = tpu.memref_squeeze %dma_start3A_273 : memref<1x200x64xf32, #tpu.memory_space<hbm>> -> memref<200x64xf32, #tpu.memory_space<hbm>>
      %dma_start3A_275 = arith.constant 0 : i32
      %dma_start3A_276 = arith.constant 0 : i32
      %dma_start3A_277 = tpu.memref_slice %arg4[%add3A_265, %dma_start3A_275, %dma_start3A_276] : memref<4096x200x128xf32, #tpu.memory_space<hbm>> -> memref<1x200x64xf32, #tpu.memory_space<hbm>>
      %dma_start3A_278 = tpu.memref_squeeze %dma_start3A_277 : memref<1x200x64xf32, #tpu.memory_space<hbm>> -> memref<200x64xf32, #tpu.memory_space<hbm>>
      %dma_start3A_279 = arith.constant 600 : i32
      %dma_start3A_280 = arith.constant 0 : i32
      %dma_start3A_281 = tpu.memref_slice %arg6[%dma_start3A_266, %dma_start3A_279, %dma_start3A_280] : memref<2x800x64xf32, #tpu.memory_space<vmem>> -> memref<1x200x64xf32, #tpu.memory_space<vmem>>
      %dma_start3A_282 = tpu.memref_squeeze %dma_start3A_281 : memref<1x200x64xf32, #tpu.memory_space<vmem>> -> memref<200x64xf32, #tpu.memory_space<vmem>>
      tpu.enqueue_dma source(%dma_start3A_282 : memref<200x64xf32, #tpu.memory_space<vmem>>) target(%dma_start3A_278 : memref<200x64xf32, #tpu.memory_space<hbm>>) target_semaphore(%arg9 : memref<!tpu.dma_semaphore, #tpu.memory_space<semaphore_mem>>)
      %add3A_283 = arith.constant 2 : i32
      %add3A_284 = arith.addi %add3A_184, %add3A_283 : i32
      %lt3A = arith.constant 32 : i32
      %lt3A_285 = arith.cmpi slt, %add3A_284, %lt3A : i32
      %convert_element_type3A = arith.extui %lt3A_285 : i1 to i32
      %cond3A = arith.constant 0 : i32
      %cond3A_286 = arith.cmpi ne, %convert_element_type3A, %cond3A : i32
      scf.if %cond3A_286 {
        %add3A_394 = arith.constant 0 : i32
        %add3A_395 = arith.addi %mul3A_4, %add3A_394 : i32
        %dma_wait3A_396 = arith.constant 0 : i32
        %dma_wait3A_397 = arith.constant 0 : i32
        %dma_wait3A_398 = arith.constant 0 : i32
        %dma_wait3A_399 = tpu.memref_slice %arg6[%dma_wait3A_396, %dma_wait3A_397, %dma_wait3A_398] : memref<2x800x64xf32, #tpu.memory_space<vmem>> -> memref<1x200x64xf32, #tpu.memory_space<vmem>>
        %dma_wait3A_400 = tpu.memref_squeeze %dma_wait3A_399 : memref<1x200x64xf32, #tpu.memory_space<vmem>> -> memref<200x64xf32, #tpu.memory_space<vmem>>
        %dma_wait3A_401 = arith.constant 0 : i32
        %dma_wait3A_402 = arith.constant 0 : i32
        %dma_wait3A_403 = tpu.memref_slice %arg4[%add3A_395, %dma_wait3A_401, %dma_wait3A_402] : memref<4096x200x128xf32, #tpu.memory_space<hbm>> -> memref<1x200x64xf32, #tpu.memory_space<hbm>>
        %dma_wait3A_404 = tpu.memref_squeeze %dma_wait3A_403 : memref<1x200x64xf32, #tpu.memory_space<hbm>> -> memref<200x64xf32, #tpu.memory_space<hbm>>
        %dma_wait3A_405 = arith.constant 0 : i32
        %dma_wait3A_406 = arith.constant 0 : i32
        %dma_wait3A_407 = tpu.memref_slice %arg4[%add3A_395, %dma_wait3A_405, %dma_wait3A_406] : memref<4096x200x128xf32, #tpu.memory_space<hbm>> -> memref<1x200x64xf32, #tpu.memory_space<hbm>>
        %dma_wait3A_408 = tpu.memref_squeeze %dma_wait3A_407 : memref<1x200x64xf32, #tpu.memory_space<hbm>> -> memref<200x64xf32, #tpu.memory_space<hbm>>
        %dma_wait3A_409 = arith.constant 0 : i32
        %dma_wait3A_410 = arith.constant 0 : i32
        %dma_wait3A_411 = tpu.memref_slice %arg6[%dma_wait3A_396, %dma_wait3A_409, %dma_wait3A_410] : memref<2x800x64xf32, #tpu.memory_space<vmem>> -> memref<1x200x64xf32, #tpu.memory_space<vmem>>
        %dma_wait3A_412 = tpu.memref_squeeze %dma_wait3A_411 : memref<1x200x64xf32, #tpu.memory_space<vmem>> -> memref<200x64xf32, #tpu.memory_space<vmem>>
        tpu.wait_dma2 semaphore(%arg9 : memref<!tpu.dma_semaphore, #tpu.memory_space<semaphore_mem>>) src(%dma_wait3A_412 : memref<200x64xf32, #tpu.memory_space<vmem>>) dst(%dma_wait3A_408 : memref<200x64xf32, #tpu.memory_space<hbm>>)
        %add3A_413 = arith.constant 1 : i32
        %add3A_414 = arith.addi %mul3A_4, %add3A_413 : i32
        %dma_wait3A_415 = arith.constant 0 : i32
        %dma_wait3A_416 = arith.constant 200 : i32
        %dma_wait3A_417 = arith.constant 0 : i32
        %dma_wait3A_418 = tpu.memref_slice %arg6[%dma_wait3A_415, %dma_wait3A_416, %dma_wait3A_417] : memref<2x800x64xf32, #tpu.memory_space<vmem>> -> memref<1x200x64xf32, #tpu.memory_space<vmem>>
        %dma_wait3A_419 = tpu.memref_squeeze %dma_wait3A_418 : memref<1x200x64xf32, #tpu.memory_space<vmem>> -> memref<200x64xf32, #tpu.memory_space<vmem>>
        %dma_wait3A_420 = arith.constant 0 : i32
        %dma_wait3A_421 = arith.constant 0 : i32
        %dma_wait3A_422 = tpu.memref_slice %arg4[%add3A_414, %dma_wait3A_420, %dma_wait3A_421] : memref<4096x200x128xf32, #tpu.memory_space<hbm>> -> memref<1x200x64xf32, #tpu.memory_space<hbm>>
        %dma_wait3A_423 = tpu.memref_squeeze %dma_wait3A_422 : memref<1x200x64xf32, #tpu.memory_space<hbm>> -> memref<200x64xf32, #tpu.memory_space<hbm>>
        %dma_wait3A_424 = arith.constant 0 : i32
        %dma_wait3A_425 = arith.constant 0 : i32
        %dma_wait3A_426 = tpu.memref_slice %arg4[%add3A_414, %dma_wait3A_424, %dma_wait3A_425] : memref<4096x200x128xf32, #tpu.memory_space<hbm>> -> memref<1x200x64xf32, #tpu.memory_space<hbm>>
        %dma_wait3A_427 = tpu.memref_squeeze %dma_wait3A_426 : memref<1x200x64xf32, #tpu.memory_space<hbm>> -> memref<200x64xf32, #tpu.memory_space<hbm>>
        %dma_wait3A_428 = arith.constant 200 : i32
        %dma_wait3A_429 = arith.constant 0 : i32
        %dma_wait3A_430 = tpu.memref_slice %arg6[%dma_wait3A_415, %dma_wait3A_428, %dma_wait3A_429] : memref<2x800x64xf32, #tpu.memory_space<vmem>> -> memref<1x200x64xf32, #tpu.memory_space<vmem>>
        %dma_wait3A_431 = tpu.memref_squeeze %dma_wait3A_430 : memref<1x200x64xf32, #tpu.memory_space<vmem>> -> memref<200x64xf32, #tpu.memory_space<vmem>>
        tpu.wait_dma2 semaphore(%arg9 : memref<!tpu.dma_semaphore, #tpu.memory_space<semaphore_mem>>) src(%dma_wait3A_431 : memref<200x64xf32, #tpu.memory_space<vmem>>) dst(%dma_wait3A_427 : memref<200x64xf32, #tpu.memory_space<hbm>>)
        %add3A_432 = arith.constant 2 : i32
        %add3A_433 = arith.addi %mul3A_4, %add3A_432 : i32
        %dma_wait3A_434 = arith.constant 0 : i32
        %dma_wait3A_435 = arith.constant 400 : i32
        %dma_wait3A_436 = arith.constant 0 : i32
        %dma_wait3A_437 = tpu.memref_slice %arg6[%dma_wait3A_434, %dma_wait3A_435, %dma_wait3A_436] : memref<2x800x64xf32, #tpu.memory_space<vmem>> -> memref<1x200x64xf32, #tpu.memory_space<vmem>>
        %dma_wait3A_438 = tpu.memref_squeeze %dma_wait3A_437 : memref<1x200x64xf32, #tpu.memory_space<vmem>> -> memref<200x64xf32, #tpu.memory_space<vmem>>
        %dma_wait3A_439 = arith.constant 0 : i32
        %dma_wait3A_440 = arith.constant 0 : i32
        %dma_wait3A_441 = tpu.memref_slice %arg4[%add3A_433, %dma_wait3A_439, %dma_wait3A_440] : memref<4096x200x128xf32, #tpu.memory_space<hbm>> -> memref<1x200x64xf32, #tpu.memory_space<hbm>>
        %dma_wait3A_442 = tpu.memref_squeeze %dma_wait3A_441 : memref<1x200x64xf32, #tpu.memory_space<hbm>> -> memref<200x64xf32, #tpu.memory_space<hbm>>
        %dma_wait3A_443 = arith.constant 0 : i32
        %dma_wait3A_444 = arith.constant 0 : i32
        %dma_wait3A_445 = tpu.memref_slice %arg4[%add3A_433, %dma_wait3A_443, %dma_wait3A_444] : memref<4096x200x128xf32, #tpu.memory_space<hbm>> -> memref<1x200x64xf32, #tpu.memory_space<hbm>>
        %dma_wait3A_446 = tpu.memref_squeeze %dma_wait3A_445 : memref<1x200x64xf32, #tpu.memory_space<hbm>> -> memref<200x64xf32, #tpu.memory_space<hbm>>
        %dma_wait3A_447 = arith.constant 400 : i32
        %dma_wait3A_448 = arith.constant 0 : i32
        %dma_wait3A_449 = tpu.memref_slice %arg6[%dma_wait3A_434, %dma_wait3A_447, %dma_wait3A_448] : memref<2x800x64xf32, #tpu.memory_space<vmem>> -> memref<1x200x64xf32, #tpu.memory_space<vmem>>
        %dma_wait3A_450 = tpu.memref_squeeze %dma_wait3A_449 : memref<1x200x64xf32, #tpu.memory_space<vmem>> -> memref<200x64xf32, #tpu.memory_space<vmem>>
        tpu.wait_dma2 semaphore(%arg9 : memref<!tpu.dma_semaphore, #tpu.memory_space<semaphore_mem>>) src(%dma_wait3A_450 : memref<200x64xf32, #tpu.memory_space<vmem>>) dst(%dma_wait3A_446 : memref<200x64xf32, #tpu.memory_space<hbm>>)
        %add3A_451 = arith.constant 3 : i32
        %add3A_452 = arith.addi %mul3A_4, %add3A_451 : i32
        %dma_wait3A_453 = arith.constant 0 : i32
        %dma_wait3A_454 = arith.constant 600 : i32
        %dma_wait3A_455 = arith.constant 0 : i32
        %dma_wait3A_456 = tpu.memref_slice %arg6[%dma_wait3A_453, %dma_wait3A_454, %dma_wait3A_455] : memref<2x800x64xf32, #tpu.memory_space<vmem>> -> memref<1x200x64xf32, #tpu.memory_space<vmem>>
        %dma_wait3A_457 = tpu.memref_squeeze %dma_wait3A_456 : memref<1x200x64xf32, #tpu.memory_space<vmem>> -> memref<200x64xf32, #tpu.memory_space<vmem>>
        %dma_wait3A_458 = arith.constant 0 : i32
        %dma_wait3A_459 = arith.constant 0 : i32
        %dma_wait3A_460 = tpu.memref_slice %arg4[%add3A_452, %dma_wait3A_458, %dma_wait3A_459] : memref<4096x200x128xf32, #tpu.memory_space<hbm>> -> memref<1x200x64xf32, #tpu.memory_space<hbm>>
        %dma_wait3A_461 = tpu.memref_squeeze %dma_wait3A_460 : memref<1x200x64xf32, #tpu.memory_space<hbm>> -> memref<200x64xf32, #tpu.memory_space<hbm>>
        %dma_wait3A_462 = arith.constant 0 : i32
        %dma_wait3A_463 = arith.constant 0 : i32
        %dma_wait3A_464 = tpu.memref_slice %arg4[%add3A_452, %dma_wait3A_462, %dma_wait3A_463] : memref<4096x200x128xf32, #tpu.memory_space<hbm>> -> memref<1x200x64xf32, #tpu.memory_space<hbm>>
        %dma_wait3A_465 = tpu.memref_squeeze %dma_wait3A_464 : memref<1x200x64xf32, #tpu.memory_space<hbm>> -> memref<200x64xf32, #tpu.memory_space<hbm>>
        %dma_wait3A_466 = arith.constant 600 : i32
        %dma_wait3A_467 = arith.constant 0 : i32
        %dma_wait3A_468 = tpu.memref_slice %arg6[%dma_wait3A_453, %dma_wait3A_466, %dma_wait3A_467] : memref<2x800x64xf32, #tpu.memory_space<vmem>> -> memref<1x200x64xf32, #tpu.memory_space<vmem>>
        %dma_wait3A_469 = tpu.memref_squeeze %dma_wait3A_468 : memref<1x200x64xf32, #tpu.memory_space<vmem>> -> memref<200x64xf32, #tpu.memory_space<vmem>>
        tpu.wait_dma2 semaphore(%arg9 : memref<!tpu.dma_semaphore, #tpu.memory_space<semaphore_mem>>) src(%dma_wait3A_469 : memref<200x64xf32, #tpu.memory_space<vmem>>) dst(%dma_wait3A_465 : memref<200x64xf32, #tpu.memory_space<hbm>>)
        %add3A_470 = arith.constant 2 : i32
        %add3A_471 = arith.addi %add3A_184, %add3A_470 : i32
        %mul3A_472 = arith.constant 800 : i32
        %mul3A_473 = arith.muli %add3A_471, %mul3A_472 : i32
        %dma_start3A_474 = arith.constant 0 : i32
        %dma_start3A_475 = arith.constant 0 : i32
        %dma_start3A_476 = arith.constant 0 : i32
        %dma_start3A_477 = tpu.memref_slice %arg6[%dma_start3A_474, %dma_start3A_475, %dma_start3A_476] : memref<2x800x64xf32, #tpu.memory_space<vmem>> -> memref<1x800x64xf32, #tpu.memory_space<vmem>>
        %dma_start3A_478 = tpu.memref_squeeze %dma_start3A_477 : memref<1x800x64xf32, #tpu.memory_space<vmem>> -> memref<800x64xf32, #tpu.memory_space<vmem>>
        %dma_start3A_479 = tpu.memref_slice %arg5[%mul3A_473] : memref<25600xi32, #tpu.memory_space<vmem>> -> memref<800xi32, #tpu.memory_space<vmem>>
        %dma_start3A_480 = arith.constant 0 : i32
        %dma_start3A_481 = arith.constant 0 : i32
        %dma_start3A_482 = tpu.memref_slice %arg3[%dma_start3A_480, %dma_start3A_481] : memref<1000000x64xf32, #tpu.memory_space<hbm>> -> memref<1000000x64xf32, #tpu.memory_space<hbm>>
        tpu.enqueue_indirect_dma source(%dma_start3A_482 : memref<1000000x64xf32, #tpu.memory_space<hbm>>) target(%dma_start3A_478 : memref<800x64xf32, #tpu.memory_space<vmem>>) offsets(%dma_start3A_479 : memref<800xi32, #tpu.memory_space<vmem>>) semaphore(%arg7 : memref<!tpu.dma_semaphore, #tpu.memory_space<semaphore_mem>>)
      } else {
      }
      %add3A_287 = arith.constant 1 : i32
      %add3A_288 = arith.addi %mul3A_182, %add3A_287 : i32
      %dma_wait3A_289 = arith.constant 1 : i32
      %dma_wait3A_290 = arith.constant 0 : i32
      %dma_wait3A_291 = arith.constant 0 : i32
      %dma_wait3A_292 = tpu.memref_slice %arg6[%dma_wait3A_289, %dma_wait3A_290, %dma_wait3A_291] : memref<2x800x64xf32, #tpu.memory_space<vmem>> -> memref<1x800x64xf32, #tpu.memory_space<vmem>>
      %dma_wait3A_293 = tpu.memref_squeeze %dma_wait3A_292 : memref<1x800x64xf32, #tpu.memory_space<vmem>> -> memref<800x64xf32, #tpu.memory_space<vmem>>
      %dma_wait3A_294 = arith.constant 0 : i32
      %dma_wait3A_295 = tpu.memref_slice %arg5[%dma_wait3A_294] : memref<25600xi32, #tpu.memory_space<vmem>> -> memref<800xi32, #tpu.memory_space<vmem>>
      %dma_wait3A_296 = arith.constant 0 : i32
      %dma_wait3A_297 = arith.constant 0 : i32
      %dma_wait3A_298 = tpu.memref_slice %arg3[%dma_wait3A_296, %dma_wait3A_297] : memref<1000000x64xf32, #tpu.memory_space<hbm>> -> memref<1000000x64xf32, #tpu.memory_space<hbm>>
      tpu.wait_indirect_dma semaphore(%arg8 : memref<!tpu.dma_semaphore, #tpu.memory_space<semaphore_mem>>) src(%dma_wait3A_298 : memref<1000000x64xf32, #tpu.memory_space<hbm>>) dst(%dma_wait3A_293 : memref<800x64xf32, #tpu.memory_space<vmem>>)
      %mul3A_299 = arith.constant 4 : i32
      %mul3A_300 = arith.muli %add3A_288, %mul3A_299 : i32
      %add3A_301 = arith.addi %mul3A_4, %mul3A_300 : i32
      %add3A_302 = arith.constant 0 : i32
      %add3A_303 = arith.addi %add3A_301, %add3A_302 : i32
      %dma_start3A_304 = arith.constant 1 : i32
      %dma_start3A_305 = arith.constant 0 : i32
      %dma_start3A_306 = arith.constant 0 : i32
      %dma_start3A_307 = tpu.memref_slice %arg6[%dma_start3A_304, %dma_start3A_305, %dma_start3A_306] : memref<2x800x64xf32, #tpu.memory_space<vmem>> -> memref<1x200x64xf32, #tpu.memory_space<vmem>>
      %dma_start3A_308 = tpu.memref_squeeze %dma_start3A_307 : memref<1x200x64xf32, #tpu.memory_space<vmem>> -> memref<200x64xf32, #tpu.memory_space<vmem>>
      %dma_start3A_309 = arith.constant 0 : i32
      %dma_start3A_310 = arith.constant 0 : i32
      %dma_start3A_311 = tpu.memref_slice %arg4[%add3A_303, %dma_start3A_309, %dma_start3A_310] : memref<4096x200x128xf32, #tpu.memory_space<hbm>> -> memref<1x200x64xf32, #tpu.memory_space<hbm>>
      %dma_start3A_312 = tpu.memref_squeeze %dma_start3A_311 : memref<1x200x64xf32, #tpu.memory_space<hbm>> -> memref<200x64xf32, #tpu.memory_space<hbm>>
      %dma_start3A_313 = arith.constant 0 : i32
      %dma_start3A_314 = arith.constant 0 : i32
      %dma_start3A_315 = tpu.memref_slice %arg4[%add3A_303, %dma_start3A_313, %dma_start3A_314] : memref<4096x200x128xf32, #tpu.memory_space<hbm>> -> memref<1x200x64xf32, #tpu.memory_space<hbm>>
      %dma_start3A_316 = tpu.memref_squeeze %dma_start3A_315 : memref<1x200x64xf32, #tpu.memory_space<hbm>> -> memref<200x64xf32, #tpu.memory_space<hbm>>
      %dma_start3A_317 = arith.constant 0 : i32
      %dma_start3A_318 = arith.constant 0 : i32
      %dma_start3A_319 = tpu.memref_slice %arg6[%dma_start3A_304, %dma_start3A_317, %dma_start3A_318] : memref<2x800x64xf32, #tpu.memory_space<vmem>> -> memref<1x200x64xf32, #tpu.memory_space<vmem>>
      %dma_start3A_320 = tpu.memref_squeeze %dma_start3A_319 : memref<1x200x64xf32, #tpu.memory_space<vmem>> -> memref<200x64xf32, #tpu.memory_space<vmem>>
      tpu.enqueue_dma source(%dma_start3A_320 : memref<200x64xf32, #tpu.memory_space<vmem>>) target(%dma_start3A_316 : memref<200x64xf32, #tpu.memory_space<hbm>>) target_semaphore(%arg10 : memref<!tpu.dma_semaphore, #tpu.memory_space<semaphore_mem>>)
      %mul3A_321 = arith.constant 4 : i32
      %mul3A_322 = arith.muli %add3A_288, %mul3A_321 : i32
      %add3A_323 = arith.addi %mul3A_4, %mul3A_322 : i32
      %add3A_324 = arith.constant 1 : i32
      %add3A_325 = arith.addi %add3A_323, %add3A_324 : i32
      %dma_start3A_326 = arith.constant 1 : i32
      %dma_start3A_327 = arith.constant 200 : i32
      %dma_start3A_328 = arith.constant 0 : i32
      %dma_start3A_329 = tpu.memref_slice %arg6[%dma_start3A_326, %dma_start3A_327, %dma_start3A_328] : memref<2x800x64xf32, #tpu.memory_space<vmem>> -> memref<1x200x64xf32, #tpu.memory_space<vmem>>
      %dma_start3A_330 = tpu.memref_squeeze %dma_start3A_329 : memref<1x200x64xf32, #tpu.memory_space<vmem>> -> memref<200x64xf32, #tpu.memory_space<vmem>>
      %dma_start3A_331 = arith.constant 0 : i32
      %dma_start3A_332 = arith.constant 0 : i32
      %dma_start3A_333 = tpu.memref_slice %arg4[%add3A_325, %dma_start3A_331, %dma_start3A_332] : memref<4096x200x128xf32, #tpu.memory_space<hbm>> -> memref<1x200x64xf32, #tpu.memory_space<hbm>>
      %dma_start3A_334 = tpu.memref_squeeze %dma_start3A_333 : memref<1x200x64xf32, #tpu.memory_space<hbm>> -> memref<200x64xf32, #tpu.memory_space<hbm>>
      %dma_start3A_335 = arith.constant 0 : i32
      %dma_start3A_336 = arith.constant 0 : i32
      %dma_start3A_337 = tpu.memref_slice %arg4[%add3A_325, %dma_start3A_335, %dma_start3A_336] : memref<4096x200x128xf32, #tpu.memory_space<hbm>> -> memref<1x200x64xf32, #tpu.memory_space<hbm>>
      %dma_start3A_338 = tpu.memref_squeeze %dma_start3A_337 : memref<1x200x64xf32, #tpu.memory_space<hbm>> -> memref<200x64xf32, #tpu.memory_space<hbm>>
      %dma_start3A_339 = arith.constant 200 : i32
      %dma_start3A_340 = arith.constant 0 : i32
      %dma_start3A_341 = tpu.memref_slice %arg6[%dma_start3A_326, %dma_start3A_339, %dma_start3A_340] : memref<2x800x64xf32, #tpu.memory_space<vmem>> -> memref<1x200x64xf32, #tpu.memory_space<vmem>>
      %dma_start3A_342 = tpu.memref_squeeze %dma_start3A_341 : memref<1x200x64xf32, #tpu.memory_space<vmem>> -> memref<200x64xf32, #tpu.memory_space<vmem>>
      tpu.enqueue_dma source(%dma_start3A_342 : memref<200x64xf32, #tpu.memory_space<vmem>>) target(%dma_start3A_338 : memref<200x64xf32, #tpu.memory_space<hbm>>) target_semaphore(%arg10 : memref<!tpu.dma_semaphore, #tpu.memory_space<semaphore_mem>>)
      %mul3A_343 = arith.constant 4 : i32
      %mul3A_344 = arith.muli %add3A_288, %mul3A_343 : i32
      %add3A_345 = arith.addi %mul3A_4, %mul3A_344 : i32
      %add3A_346 = arith.constant 2 : i32
      %add3A_347 = arith.addi %add3A_345, %add3A_346 : i32
      %dma_start3A_348 = arith.constant 1 : i32
      %dma_start3A_349 = arith.constant 400 : i32
      %dma_start3A_350 = arith.constant 0 : i32
      %dma_start3A_351 = tpu.memref_slice %arg6[%dma_start3A_348, %dma_start3A_349, %dma_start3A_350] : memref<2x800x64xf32, #tpu.memory_space<vmem>> -> memref<1x200x64xf32, #tpu.memory_space<vmem>>
      %dma_start3A_352 = tpu.memref_squeeze %dma_start3A_351 : memref<1x200x64xf32, #tpu.memory_space<vmem>> -> memref<200x64xf32, #tpu.memory_space<vmem>>
      %dma_start3A_353 = arith.constant 0 : i32
      %dma_start3A_354 = arith.constant 0 : i32
      %dma_start3A_355 = tpu.memref_slice %arg4[%add3A_347, %dma_start3A_353, %dma_start3A_354] : memref<4096x200x128xf32, #tpu.memory_space<hbm>> -> memref<1x200x64xf32, #tpu.memory_space<hbm>>
      %dma_start3A_356 = tpu.memref_squeeze %dma_start3A_355 : memref<1x200x64xf32, #tpu.memory_space<hbm>> -> memref<200x64xf32, #tpu.memory_space<hbm>>
      %dma_start3A_357 = arith.constant 0 : i32
      %dma_start3A_358 = arith.constant 0 : i32
      %dma_start3A_359 = tpu.memref_slice %arg4[%add3A_347, %dma_start3A_357, %dma_start3A_358] : memref<4096x200x128xf32, #tpu.memory_space<hbm>> -> memref<1x200x64xf32, #tpu.memory_space<hbm>>
      %dma_start3A_360 = tpu.memref_squeeze %dma_start3A_359 : memref<1x200x64xf32, #tpu.memory_space<hbm>> -> memref<200x64xf32, #tpu.memory_space<hbm>>
      %dma_start3A_361 = arith.constant 400 : i32
      %dma_start3A_362 = arith.constant 0 : i32
      %dma_start3A_363 = tpu.memref_slice %arg6[%dma_start3A_348, %dma_start3A_361, %dma_start3A_362] : memref<2x800x64xf32, #tpu.memory_space<vmem>> -> memref<1x200x64xf32, #tpu.memory_space<vmem>>
      %dma_start3A_364 = tpu.memref_squeeze %dma_start3A_363 : memref<1x200x64xf32, #tpu.memory_space<vmem>> -> memref<200x64xf32, #tpu.memory_space<vmem>>
      tpu.enqueue_dma source(%dma_start3A_364 : memref<200x64xf32, #tpu.memory_space<vmem>>) target(%dma_start3A_360 : memref<200x64xf32, #tpu.memory_space<hbm>>) target_semaphore(%arg10 : memref<!tpu.dma_semaphore, #tpu.memory_space<semaphore_mem>>)
      %mul3A_365 = arith.constant 4 : i32
      %mul3A_366 = arith.muli %add3A_288, %mul3A_365 : i32
      %add3A_367 = arith.addi %mul3A_4, %mul3A_366 : i32
      %add3A_368 = arith.constant 3 : i32
      %add3A_369 = arith.addi %add3A_367, %add3A_368 : i32
      %dma_start3A_370 = arith.constant 1 : i32
      %dma_start3A_371 = arith.constant 600 : i32
      %dma_start3A_372 = arith.constant 0 : i32
      %dma_start3A_373 = tpu.memref_slice %arg6[%dma_start3A_370, %dma_start3A_371, %dma_start3A_372] : memref<2x800x64xf32, #tpu.memory_space<vmem>> -> memref<1x200x64xf32, #tpu.memory_space<vmem>>
      %dma_start3A_374 = tpu.memref_squeeze %dma_start3A_373 : memref<1x200x64xf32, #tpu.memory_space<vmem>> -> memref<200x64xf32, #tpu.memory_space<vmem>>
      %dma_start3A_375 = arith.constant 0 : i32
      %dma_start3A_376 = arith.constant 0 : i32
      %dma_start3A_377 = tpu.memref_slice %arg4[%add3A_369, %dma_start3A_375, %dma_start3A_376] : memref<4096x200x128xf32, #tpu.memory_space<hbm>> -> memref<1x200x64xf32, #tpu.memory_space<hbm>>
      %dma_start3A_378 = tpu.memref_squeeze %dma_start3A_377 : memref<1x200x64xf32, #tpu.memory_space<hbm>> -> memref<200x64xf32, #tpu.memory_space<hbm>>
      %dma_start3A_379 = arith.constant 0 : i32
      %dma_start3A_380 = arith.constant 0 : i32
      %dma_start3A_381 = tpu.memref_slice %arg4[%add3A_369, %dma_start3A_379, %dma_start3A_380] : memref<4096x200x128xf32, #tpu.memory_space<hbm>> -> memref<1x200x64xf32, #tpu.memory_space<hbm>>
      %dma_start3A_382 = tpu.memref_squeeze %dma_start3A_381 : memref<1x200x64xf32, #tpu.memory_space<hbm>> -> memref<200x64xf32, #tpu.memory_space<hbm>>
      %dma_start3A_383 = arith.constant 600 : i32
      %dma_start3A_384 = arith.constant 0 : i32
      %dma_start3A_385 = tpu.memref_slice %arg6[%dma_start3A_370, %dma_start3A_383, %dma_start3A_384] : memref<2x800x64xf32, #tpu.memory_space<vmem>> -> memref<1x200x64xf32, #tpu.memory_space<vmem>>
      %dma_start3A_386 = tpu.memref_squeeze %dma_start3A_385 : memref<1x200x64xf32, #tpu.memory_space<vmem>> -> memref<200x64xf32, #tpu.memory_space<vmem>>
      tpu.enqueue_dma source(%dma_start3A_386 : memref<200x64xf32, #tpu.memory_space<vmem>>) target(%dma_start3A_382 : memref<200x64xf32, #tpu.memory_space<hbm>>) target_semaphore(%arg10 : memref<!tpu.dma_semaphore, #tpu.memory_space<semaphore_mem>>)
      %add3A_387 = arith.constant 2 : i32
      %add3A_388 = arith.addi %add3A_288, %add3A_387 : i32
      %lt3A_389 = arith.constant 32 : i32
      %lt3A_390 = arith.cmpi slt, %add3A_388, %lt3A_389 : i32
      %convert_element_type3A_391 = arith.extui %lt3A_390 : i1 to i32
      %cond3A_392 = arith.constant 0 : i32
      %cond3A_393 = arith.cmpi ne, %convert_element_type3A_391, %cond3A_392 : i32
      scf.if %cond3A_393 {
        %add3A_394 = arith.constant 0 : i32
        %add3A_395 = arith.addi %mul3A_4, %add3A_394 : i32
        %dma_wait3A_396 = arith.constant 1 : i32
        %dma_wait3A_397 = arith.constant 0 : i32
        %dma_wait3A_398 = arith.constant 0 : i32
        %dma_wait3A_399 = tpu.memref_slice %arg6[%dma_wait3A_396, %dma_wait3A_397, %dma_wait3A_398] : memref<2x800x64xf32, #tpu.memory_space<vmem>> -> memref<1x200x64xf32, #tpu.memory_space<vmem>>
        %dma_wait3A_400 = tpu.memref_squeeze %dma_wait3A_399 : memref<1x200x64xf32, #tpu.memory_space<vmem>> -> memref<200x64xf32, #tpu.memory_space<vmem>>
        %dma_wait3A_401 = arith.constant 0 : i32
        %dma_wait3A_402 = arith.constant 0 : i32
        %dma_wait3A_403 = tpu.memref_slice %arg4[%add3A_395, %dma_wait3A_401, %dma_wait3A_402] : memref<4096x200x128xf32, #tpu.memory_space<hbm>> -> memref<1x200x64xf32, #tpu.memory_space<hbm>>
        %dma_wait3A_404 = tpu.memref_squeeze %dma_wait3A_403 : memref<1x200x64xf32, #tpu.memory_space<hbm>> -> memref<200x64xf32, #tpu.memory_space<hbm>>
        %dma_wait3A_405 = arith.constant 0 : i32
        %dma_wait3A_406 = arith.constant 0 : i32
        %dma_wait3A_407 = tpu.memref_slice %arg4[%add3A_395, %dma_wait3A_405, %dma_wait3A_406] : memref<4096x200x128xf32, #tpu.memory_space<hbm>> -> memref<1x200x64xf32, #tpu.memory_space<hbm>>
        %dma_wait3A_408 = tpu.memref_squeeze %dma_wait3A_407 : memref<1x200x64xf32, #tpu.memory_space<hbm>> -> memref<200x64xf32, #tpu.memory_space<hbm>>
        %dma_wait3A_409 = arith.constant 0 : i32
        %dma_wait3A_410 = arith.constant 0 : i32
        %dma_wait3A_411 = tpu.memref_slice %arg6[%dma_wait3A_396, %dma_wait3A_409, %dma_wait3A_410] : memref<2x800x64xf32, #tpu.memory_space<vmem>> -> memref<1x200x64xf32, #tpu.memory_space<vmem>>
        %dma_wait3A_412 = tpu.memref_squeeze %dma_wait3A_411 : memref<1x200x64xf32, #tpu.memory_space<vmem>> -> memref<200x64xf32, #tpu.memory_space<vmem>>
        tpu.wait_dma2 semaphore(%arg10 : memref<!tpu.dma_semaphore, #tpu.memory_space<semaphore_mem>>) src(%dma_wait3A_412 : memref<200x64xf32, #tpu.memory_space<vmem>>) dst(%dma_wait3A_408 : memref<200x64xf32, #tpu.memory_space<hbm>>)
        %add3A_413 = arith.constant 1 : i32
        %add3A_414 = arith.addi %mul3A_4, %add3A_413 : i32
        %dma_wait3A_415 = arith.constant 1 : i32
        %dma_wait3A_416 = arith.constant 200 : i32
        %dma_wait3A_417 = arith.constant 0 : i32
        %dma_wait3A_418 = tpu.memref_slice %arg6[%dma_wait3A_415, %dma_wait3A_416, %dma_wait3A_417] : memref<2x800x64xf32, #tpu.memory_space<vmem>> -> memref<1x200x64xf32, #tpu.memory_space<vmem>>
        %dma_wait3A_419 = tpu.memref_squeeze %dma_wait3A_418 : memref<1x200x64xf32, #tpu.memory_space<vmem>> -> memref<200x64xf32, #tpu.memory_space<vmem>>
        %dma_wait3A_420 = arith.constant 0 : i32
        %dma_wait3A_421 = arith.constant 0 : i32
        %dma_wait3A_422 = tpu.memref_slice %arg4[%add3A_414, %dma_wait3A_420, %dma_wait3A_421] : memref<4096x200x128xf32, #tpu.memory_space<hbm>> -> memref<1x200x64xf32, #tpu.memory_space<hbm>>
        %dma_wait3A_423 = tpu.memref_squeeze %dma_wait3A_422 : memref<1x200x64xf32, #tpu.memory_space<hbm>> -> memref<200x64xf32, #tpu.memory_space<hbm>>
        %dma_wait3A_424 = arith.constant 0 : i32
        %dma_wait3A_425 = arith.constant 0 : i32
        %dma_wait3A_426 = tpu.memref_slice %arg4[%add3A_414, %dma_wait3A_424, %dma_wait3A_425] : memref<4096x200x128xf32, #tpu.memory_space<hbm>> -> memref<1x200x64xf32, #tpu.memory_space<hbm>>
        %dma_wait3A_427 = tpu.memref_squeeze %dma_wait3A_426 : memref<1x200x64xf32, #tpu.memory_space<hbm>> -> memref<200x64xf32, #tpu.memory_space<hbm>>
        %dma_wait3A_428 = arith.constant 200 : i32
        %dma_wait3A_429 = arith.constant 0 : i32
        %dma_wait3A_430 = tpu.memref_slice %arg6[%dma_wait3A_415, %dma_wait3A_428, %dma_wait3A_429] : memref<2x800x64xf32, #tpu.memory_space<vmem>> -> memref<1x200x64xf32, #tpu.memory_space<vmem>>
        %dma_wait3A_431 = tpu.memref_squeeze %dma_wait3A_430 : memref<1x200x64xf32, #tpu.memory_space<vmem>> -> memref<200x64xf32, #tpu.memory_space<vmem>>
        tpu.wait_dma2 semaphore(%arg10 : memref<!tpu.dma_semaphore, #tpu.memory_space<semaphore_mem>>) src(%dma_wait3A_431 : memref<200x64xf32, #tpu.memory_space<vmem>>) dst(%dma_wait3A_427 : memref<200x64xf32, #tpu.memory_space<hbm>>)
        %add3A_432 = arith.constant 2 : i32
        %add3A_433 = arith.addi %mul3A_4, %add3A_432 : i32
        %dma_wait3A_434 = arith.constant 1 : i32
        %dma_wait3A_435 = arith.constant 400 : i32
        %dma_wait3A_436 = arith.constant 0 : i32
        %dma_wait3A_437 = tpu.memref_slice %arg6[%dma_wait3A_434, %dma_wait3A_435, %dma_wait3A_436] : memref<2x800x64xf32, #tpu.memory_space<vmem>> -> memref<1x200x64xf32, #tpu.memory_space<vmem>>
        %dma_wait3A_438 = tpu.memref_squeeze %dma_wait3A_437 : memref<1x200x64xf32, #tpu.memory_space<vmem>> -> memref<200x64xf32, #tpu.memory_space<vmem>>
        %dma_wait3A_439 = arith.constant 0 : i32
        %dma_wait3A_440 = arith.constant 0 : i32
        %dma_wait3A_441 = tpu.memref_slice %arg4[%add3A_433, %dma_wait3A_439, %dma_wait3A_440] : memref<4096x200x128xf32, #tpu.memory_space<hbm>> -> memref<1x200x64xf32, #tpu.memory_space<hbm>>
        %dma_wait3A_442 = tpu.memref_squeeze %dma_wait3A_441 : memref<1x200x64xf32, #tpu.memory_space<hbm>> -> memref<200x64xf32, #tpu.memory_space<hbm>>
        %dma_wait3A_443 = arith.constant 0 : i32
        %dma_wait3A_444 = arith.constant 0 : i32
        %dma_wait3A_445 = tpu.memref_slice %arg4[%add3A_433, %dma_wait3A_443, %dma_wait3A_444] : memref<4096x200x128xf32, #tpu.memory_space<hbm>> -> memref<1x200x64xf32, #tpu.memory_space<hbm>>
        %dma_wait3A_446 = tpu.memref_squeeze %dma_wait3A_445 : memref<1x200x64xf32, #tpu.memory_space<hbm>> -> memref<200x64xf32, #tpu.memory_space<hbm>>
        %dma_wait3A_447 = arith.constant 400 : i32
        %dma_wait3A_448 = arith.constant 0 : i32
        %dma_wait3A_449 = tpu.memref_slice %arg6[%dma_wait3A_434, %dma_wait3A_447, %dma_wait3A_448] : memref<2x800x64xf32, #tpu.memory_space<vmem>> -> memref<1x200x64xf32, #tpu.memory_space<vmem>>
        %dma_wait3A_450 = tpu.memref_squeeze %dma_wait3A_449 : memref<1x200x64xf32, #tpu.memory_space<vmem>> -> memref<200x64xf32, #tpu.memory_space<vmem>>
        tpu.wait_dma2 semaphore(%arg10 : memref<!tpu.dma_semaphore, #tpu.memory_space<semaphore_mem>>) src(%dma_wait3A_450 : memref<200x64xf32, #tpu.memory_space<vmem>>) dst(%dma_wait3A_446 : memref<200x64xf32, #tpu.memory_space<hbm>>)
        %add3A_451 = arith.constant 3 : i32
        %add3A_452 = arith.addi %mul3A_4, %add3A_451 : i32
        %dma_wait3A_453 = arith.constant 1 : i32
        %dma_wait3A_454 = arith.constant 600 : i32
        %dma_wait3A_455 = arith.constant 0 : i32
        %dma_wait3A_456 = tpu.memref_slice %arg6[%dma_wait3A_453, %dma_wait3A_454, %dma_wait3A_455] : memref<2x800x64xf32, #tpu.memory_space<vmem>> -> memref<1x200x64xf32, #tpu.memory_space<vmem>>
        %dma_wait3A_457 = tpu.memref_squeeze %dma_wait3A_456 : memref<1x200x64xf32, #tpu.memory_space<vmem>> -> memref<200x64xf32, #tpu.memory_space<vmem>>
        %dma_wait3A_458 = arith.constant 0 : i32
        %dma_wait3A_459 = arith.constant 0 : i32
        %dma_wait3A_460 = tpu.memref_slice %arg4[%add3A_452, %dma_wait3A_458, %dma_wait3A_459] : memref<4096x200x128xf32, #tpu.memory_space<hbm>> -> memref<1x200x64xf32, #tpu.memory_space<hbm>>
        %dma_wait3A_461 = tpu.memref_squeeze %dma_wait3A_460 : memref<1x200x64xf32, #tpu.memory_space<hbm>> -> memref<200x64xf32, #tpu.memory_space<hbm>>
        %dma_wait3A_462 = arith.constant 0 : i32
        %dma_wait3A_463 = arith.constant 0 : i32
        %dma_wait3A_464 = tpu.memref_slice %arg4[%add3A_452, %dma_wait3A_462, %dma_wait3A_463] : memref<4096x200x128xf32, #tpu.memory_space<hbm>> -> memref<1x200x64xf32, #tpu.memory_space<hbm>>
        %dma_wait3A_465 = tpu.memref_squeeze %dma_wait3A_464 : memref<1x200x64xf32, #tpu.memory_space<hbm>> -> memref<200x64xf32, #tpu.memory_space<hbm>>
        %dma_wait3A_466 = arith.constant 600 : i32
        %dma_wait3A_467 = arith.constant 0 : i32
        %dma_wait3A_468 = tpu.memref_slice %arg6[%dma_wait3A_453, %dma_wait3A_466, %dma_wait3A_467] : memref<2x800x64xf32, #tpu.memory_space<vmem>> -> memref<1x200x64xf32, #tpu.memory_space<vmem>>
        %dma_wait3A_469 = tpu.memref_squeeze %dma_wait3A_468 : memref<1x200x64xf32, #tpu.memory_space<vmem>> -> memref<200x64xf32, #tpu.memory_space<vmem>>
        tpu.wait_dma2 semaphore(%arg10 : memref<!tpu.dma_semaphore, #tpu.memory_space<semaphore_mem>>) src(%dma_wait3A_469 : memref<200x64xf32, #tpu.memory_space<vmem>>) dst(%dma_wait3A_465 : memref<200x64xf32, #tpu.memory_space<hbm>>)
        %add3A_470 = arith.constant 2 : i32
        %add3A_471 = arith.addi %add3A_288, %add3A_470 : i32
        %mul3A_472 = arith.constant 800 : i32
        %mul3A_473 = arith.muli %add3A_471, %mul3A_472 : i32
        %dma_start3A_474 = arith.constant 1 : i32
        %dma_start3A_475 = arith.constant 0 : i32
        %dma_start3A_476 = arith.constant 0 : i32
        %dma_start3A_477 = tpu.memref_slice %arg6[%dma_start3A_474, %dma_start3A_475, %dma_start3A_476] : memref<2x800x64xf32, #tpu.memory_space<vmem>> -> memref<1x800x64xf32, #tpu.memory_space<vmem>>
        %dma_start3A_478 = tpu.memref_squeeze %dma_start3A_477 : memref<1x800x64xf32, #tpu.memory_space<vmem>> -> memref<800x64xf32, #tpu.memory_space<vmem>>
        %dma_start3A_479 = tpu.memref_slice %arg5[%mul3A_473] : memref<25600xi32, #tpu.memory_space<vmem>> -> memref<800xi32, #tpu.memory_space<vmem>>
        %dma_start3A_480 = arith.constant 0 : i32
        %dma_start3A_481 = arith.constant 0 : i32
        %dma_start3A_482 = tpu.memref_slice %arg3[%dma_start3A_480, %dma_start3A_481] : memref<1000000x64xf32, #tpu.memory_space<hbm>> -> memref<1000000x64xf32, #tpu.memory_space<hbm>>
        tpu.enqueue_indirect_dma source(%dma_start3A_482 : memref<1000000x64xf32, #tpu.memory_space<hbm>>) target(%dma_start3A_478 : memref<800x64xf32, #tpu.memory_space<vmem>>) offsets(%dma_start3A_479 : memref<800xi32, #tpu.memory_space<vmem>>) semaphore(%arg8 : memref<!tpu.dma_semaphore, #tpu.memory_space<semaphore_mem>>)
      } else {
      }
    }
    %scan3A_28 = arith.constant 16 : i32
    %add3A_29 = arith.constant 0 : i32
    %add3A_30 = arith.addi %mul3A_4, %add3A_29 : i32
    %dma_wait3A = arith.constant 0 : i32
    %dma_wait3A_31 = arith.constant 0 : i32
    %dma_wait3A_32 = arith.constant 0 : i32
    %dma_wait3A_33 = tpu.memref_slice %arg6[%dma_wait3A, %dma_wait3A_31, %dma_wait3A_32] : memref<2x800x64xf32, #tpu.memory_space<vmem>> -> memref<1x200x64xf32, #tpu.memory_space<vmem>>
    %dma_wait3A_34 = tpu.memref_squeeze %dma_wait3A_33 : memref<1x200x64xf32, #tpu.memory_space<vmem>> -> memref<200x64xf32, #tpu.memory_space<vmem>>
    %dma_wait3A_35 = arith.constant 0 : i32
    %dma_wait3A_36 = arith.constant 0 : i32
    %dma_wait3A_37 = tpu.memref_slice %arg4[%add3A_30, %dma_wait3A_35, %dma_wait3A_36] : memref<4096x200x128xf32, #tpu.memory_space<hbm>> -> memref<1x200x64xf32, #tpu.memory_space<hbm>>
    %dma_wait3A_38 = tpu.memref_squeeze %dma_wait3A_37 : memref<1x200x64xf32, #tpu.memory_space<hbm>> -> memref<200x64xf32, #tpu.memory_space<hbm>>
    %dma_wait3A_39 = arith.constant 0 : i32
    %dma_wait3A_40 = arith.constant 0 : i32
    %dma_wait3A_41 = tpu.memref_slice %arg4[%add3A_30, %dma_wait3A_39, %dma_wait3A_40] : memref<4096x200x128xf32, #tpu.memory_space<hbm>> -> memref<1x200x64xf32, #tpu.memory_space<hbm>>
    %dma_wait3A_42 = tpu.memref_squeeze %dma_wait3A_41 : memref<1x200x64xf32, #tpu.memory_space<hbm>> -> memref<200x64xf32, #tpu.memory_space<hbm>>
    %dma_wait3A_43 = arith.constant 0 : i32
    %dma_wait3A_44 = arith.constant 0 : i32
    %dma_wait3A_45 = tpu.memref_slice %arg6[%dma_wait3A, %dma_wait3A_43, %dma_wait3A_44] : memref<2x800x64xf32, #tpu.memory_space<vmem>> -> memref<1x200x64xf32, #tpu.memory_space<vmem>>
    %dma_wait3A_46 = tpu.memref_squeeze %dma_wait3A_45 : memref<1x200x64xf32, #tpu.memory_space<vmem>> -> memref<200x64xf32, #tpu.memory_space<vmem>>
    tpu.wait_dma2 semaphore(%arg9 : memref<!tpu.dma_semaphore, #tpu.memory_space<semaphore_mem>>) src(%dma_wait3A_46 : memref<200x64xf32, #tpu.memory_space<vmem>>) dst(%dma_wait3A_42 : memref<200x64xf32, #tpu.memory_space<hbm>>)
    %add3A_47 = arith.constant 1 : i32
    %add3A_48 = arith.addi %mul3A_4, %add3A_47 : i32
    %dma_wait3A_49 = arith.constant 0 : i32
    %dma_wait3A_50 = arith.constant 200 : i32
    %dma_wait3A_51 = arith.constant 0 : i32
    %dma_wait3A_52 = tpu.memref_slice %arg6[%dma_wait3A_49, %dma_wait3A_50, %dma_wait3A_51] : memref<2x800x64xf32, #tpu.memory_space<vmem>> -> memref<1x200x64xf32, #tpu.memory_space<vmem>>
    %dma_wait3A_53 = tpu.memref_squeeze %dma_wait3A_52 : memref<1x200x64xf32, #tpu.memory_space<vmem>> -> memref<200x64xf32, #tpu.memory_space<vmem>>
    %dma_wait3A_54 = arith.constant 0 : i32
    %dma_wait3A_55 = arith.constant 0 : i32
    %dma_wait3A_56 = tpu.memref_slice %arg4[%add3A_48, %dma_wait3A_54, %dma_wait3A_55] : memref<4096x200x128xf32, #tpu.memory_space<hbm>> -> memref<1x200x64xf32, #tpu.memory_space<hbm>>
    %dma_wait3A_57 = tpu.memref_squeeze %dma_wait3A_56 : memref<1x200x64xf32, #tpu.memory_space<hbm>> -> memref<200x64xf32, #tpu.memory_space<hbm>>
    %dma_wait3A_58 = arith.constant 0 : i32
    %dma_wait3A_59 = arith.constant 0 : i32
    %dma_wait3A_60 = tpu.memref_slice %arg4[%add3A_48, %dma_wait3A_58, %dma_wait3A_59] : memref<4096x200x128xf32, #tpu.memory_space<hbm>> -> memref<1x200x64xf32, #tpu.memory_space<hbm>>
    %dma_wait3A_61 = tpu.memref_squeeze %dma_wait3A_60 : memref<1x200x64xf32, #tpu.memory_space<hbm>> -> memref<200x64xf32, #tpu.memory_space<hbm>>
    %dma_wait3A_62 = arith.constant 200 : i32
    %dma_wait3A_63 = arith.constant 0 : i32
    %dma_wait3A_64 = tpu.memref_slice %arg6[%dma_wait3A_49, %dma_wait3A_62, %dma_wait3A_63] : memref<2x800x64xf32, #tpu.memory_space<vmem>> -> memref<1x200x64xf32, #tpu.memory_space<vmem>>
    %dma_wait3A_65 = tpu.memref_squeeze %dma_wait3A_64 : memref<1x200x64xf32, #tpu.memory_space<vmem>> -> memref<200x64xf32, #tpu.memory_space<vmem>>
    tpu.wait_dma2 semaphore(%arg9 : memref<!tpu.dma_semaphore, #tpu.memory_space<semaphore_mem>>) src(%dma_wait3A_65 : memref<200x64xf32, #tpu.memory_space<vmem>>) dst(%dma_wait3A_61 : memref<200x64xf32, #tpu.memory_space<hbm>>)
    %add3A_66 = arith.constant 2 : i32
    %add3A_67 = arith.addi %mul3A_4, %add3A_66 : i32
    %dma_wait3A_68 = arith.constant 0 : i32
    %dma_wait3A_69 = arith.constant 400 : i32
    %dma_wait3A_70 = arith.constant 0 : i32
    %dma_wait3A_71 = tpu.memref_slice %arg6[%dma_wait3A_68, %dma_wait3A_69, %dma_wait3A_70] : memref<2x800x64xf32, #tpu.memory_space<vmem>> -> memref<1x200x64xf32, #tpu.memory_space<vmem>>
    %dma_wait3A_72 = tpu.memref_squeeze %dma_wait3A_71 : memref<1x200x64xf32, #tpu.memory_space<vmem>> -> memref<200x64xf32, #tpu.memory_space<vmem>>
    %dma_wait3A_73 = arith.constant 0 : i32
    %dma_wait3A_74 = arith.constant 0 : i32
    %dma_wait3A_75 = tpu.memref_slice %arg4[%add3A_67, %dma_wait3A_73, %dma_wait3A_74] : memref<4096x200x128xf32, #tpu.memory_space<hbm>> -> memref<1x200x64xf32, #tpu.memory_space<hbm>>
    %dma_wait3A_76 = tpu.memref_squeeze %dma_wait3A_75 : memref<1x200x64xf32, #tpu.memory_space<hbm>> -> memref<200x64xf32, #tpu.memory_space<hbm>>
    %dma_wait3A_77 = arith.constant 0 : i32
    %dma_wait3A_78 = arith.constant 0 : i32
    %dma_wait3A_79 = tpu.memref_slice %arg4[%add3A_67, %dma_wait3A_77, %dma_wait3A_78] : memref<4096x200x128xf32, #tpu.memory_space<hbm>> -> memref<1x200x64xf32, #tpu.memory_space<hbm>>
    %dma_wait3A_80 = tpu.memref_squeeze %dma_wait3A_79 : memref<1x200x64xf32, #tpu.memory_space<hbm>> -> memref<200x64xf32, #tpu.memory_space<hbm>>
    %dma_wait3A_81 = arith.constant 400 : i32
    %dma_wait3A_82 = arith.constant 0 : i32
    %dma_wait3A_83 = tpu.memref_slice %arg6[%dma_wait3A_68, %dma_wait3A_81, %dma_wait3A_82] : memref<2x800x64xf32, #tpu.memory_space<vmem>> -> memref<1x200x64xf32, #tpu.memory_space<vmem>>
    %dma_wait3A_84 = tpu.memref_squeeze %dma_wait3A_83 : memref<1x200x64xf32, #tpu.memory_space<vmem>> -> memref<200x64xf32, #tpu.memory_space<vmem>>
    tpu.wait_dma2 semaphore(%arg9 : memref<!tpu.dma_semaphore, #tpu.memory_space<semaphore_mem>>) src(%dma_wait3A_84 : memref<200x64xf32, #tpu.memory_space<vmem>>) dst(%dma_wait3A_80 : memref<200x64xf32, #tpu.memory_space<hbm>>)
    %add3A_85 = arith.constant 3 : i32
    %add3A_86 = arith.addi %mul3A_4, %add3A_85 : i32
    %dma_wait3A_87 = arith.constant 0 : i32
    %dma_wait3A_88 = arith.constant 600 : i32
    %dma_wait3A_89 = arith.constant 0 : i32
    %dma_wait3A_90 = tpu.memref_slice %arg6[%dma_wait3A_87, %dma_wait3A_88, %dma_wait3A_89] : memref<2x800x64xf32, #tpu.memory_space<vmem>> -> memref<1x200x64xf32, #tpu.memory_space<vmem>>
    %dma_wait3A_91 = tpu.memref_squeeze %dma_wait3A_90 : memref<1x200x64xf32, #tpu.memory_space<vmem>> -> memref<200x64xf32, #tpu.memory_space<vmem>>
    %dma_wait3A_92 = arith.constant 0 : i32
    %dma_wait3A_93 = arith.constant 0 : i32
    %dma_wait3A_94 = tpu.memref_slice %arg4[%add3A_86, %dma_wait3A_92, %dma_wait3A_93] : memref<4096x200x128xf32, #tpu.memory_space<hbm>> -> memref<1x200x64xf32, #tpu.memory_space<hbm>>
    %dma_wait3A_95 = tpu.memref_squeeze %dma_wait3A_94 : memref<1x200x64xf32, #tpu.memory_space<hbm>> -> memref<200x64xf32, #tpu.memory_space<hbm>>
    %dma_wait3A_96 = arith.constant 0 : i32
    %dma_wait3A_97 = arith.constant 0 : i32
    %dma_wait3A_98 = tpu.memref_slice %arg4[%add3A_86, %dma_wait3A_96, %dma_wait3A_97] : memref<4096x200x128xf32, #tpu.memory_space<hbm>> -> memref<1x200x64xf32, #tpu.memory_space<hbm>>
    %dma_wait3A_99 = tpu.memref_squeeze %dma_wait3A_98 : memref<1x200x64xf32, #tpu.memory_space<hbm>> -> memref<200x64xf32, #tpu.memory_space<hbm>>
    %dma_wait3A_100 = arith.constant 600 : i32
    %dma_wait3A_101 = arith.constant 0 : i32
    %dma_wait3A_102 = tpu.memref_slice %arg6[%dma_wait3A_87, %dma_wait3A_100, %dma_wait3A_101] : memref<2x800x64xf32, #tpu.memory_space<vmem>> -> memref<1x200x64xf32, #tpu.memory_space<vmem>>
    %dma_wait3A_103 = tpu.memref_squeeze %dma_wait3A_102 : memref<1x200x64xf32, #tpu.memory_space<vmem>> -> memref<200x64xf32, #tpu.memory_space<vmem>>
    tpu.wait_dma2 semaphore(%arg9 : memref<!tpu.dma_semaphore, #tpu.memory_space<semaphore_mem>>) src(%dma_wait3A_103 : memref<200x64xf32, #tpu.memory_space<vmem>>) dst(%dma_wait3A_99 : memref<200x64xf32, #tpu.memory_space<hbm>>)
    %add3A_104 = arith.constant 0 : i32
    %add3A_105 = arith.addi %mul3A_4, %add3A_104 : i32
    %dma_wait3A_106 = arith.constant 1 : i32
    %dma_wait3A_107 = arith.constant 0 : i32
    %dma_wait3A_108 = arith.constant 0 : i32
    %dma_wait3A_109 = tpu.memref_slice %arg6[%dma_wait3A_106, %dma_wait3A_107, %dma_wait3A_108] : memref<2x800x64xf32, #tpu.memory_space<vmem>> -> memref<1x200x64xf32, #tpu.memory_space<vmem>>
    %dma_wait3A_110 = tpu.memref_squeeze %dma_wait3A_109 : memref<1x200x64xf32, #tpu.memory_space<vmem>> -> memref<200x64xf32, #tpu.memory_space<vmem>>
    %dma_wait3A_111 = arith.constant 0 : i32
    %dma_wait3A_112 = arith.constant 0 : i32
    %dma_wait3A_113 = tpu.memref_slice %arg4[%add3A_105, %dma_wait3A_111, %dma_wait3A_112] : memref<4096x200x128xf32, #tpu.memory_space<hbm>> -> memref<1x200x64xf32, #tpu.memory_space<hbm>>
    %dma_wait3A_114 = tpu.memref_squeeze %dma_wait3A_113 : memref<1x200x64xf32, #tpu.memory_space<hbm>> -> memref<200x64xf32, #tpu.memory_space<hbm>>
    %dma_wait3A_115 = arith.constant 0 : i32
    %dma_wait3A_116 = arith.constant 0 : i32
    %dma_wait3A_117 = tpu.memref_slice %arg4[%add3A_105, %dma_wait3A_115, %dma_wait3A_116] : memref<4096x200x128xf32, #tpu.memory_space<hbm>> -> memref<1x200x64xf32, #tpu.memory_space<hbm>>
    %dma_wait3A_118 = tpu.memref_squeeze %dma_wait3A_117 : memref<1x200x64xf32, #tpu.memory_space<hbm>> -> memref<200x64xf32, #tpu.memory_space<hbm>>
    %dma_wait3A_119 = arith.constant 0 : i32
    %dma_wait3A_120 = arith.constant 0 : i32
    %dma_wait3A_121 = tpu.memref_slice %arg6[%dma_wait3A_106, %dma_wait3A_119, %dma_wait3A_120] : memref<2x800x64xf32, #tpu.memory_space<vmem>> -> memref<1x200x64xf32, #tpu.memory_space<vmem>>
    %dma_wait3A_122 = tpu.memref_squeeze %dma_wait3A_121 : memref<1x200x64xf32, #tpu.memory_space<vmem>> -> memref<200x64xf32, #tpu.memory_space<vmem>>
    tpu.wait_dma2 semaphore(%arg10 : memref<!tpu.dma_semaphore, #tpu.memory_space<semaphore_mem>>) src(%dma_wait3A_122 : memref<200x64xf32, #tpu.memory_space<vmem>>) dst(%dma_wait3A_118 : memref<200x64xf32, #tpu.memory_space<hbm>>)
    %add3A_123 = arith.constant 1 : i32
    %add3A_124 = arith.addi %mul3A_4, %add3A_123 : i32
    %dma_wait3A_125 = arith.constant 1 : i32
    %dma_wait3A_126 = arith.constant 200 : i32
    %dma_wait3A_127 = arith.constant 0 : i32
    %dma_wait3A_128 = tpu.memref_slice %arg6[%dma_wait3A_125, %dma_wait3A_126, %dma_wait3A_127] : memref<2x800x64xf32, #tpu.memory_space<vmem>> -> memref<1x200x64xf32, #tpu.memory_space<vmem>>
    %dma_wait3A_129 = tpu.memref_squeeze %dma_wait3A_128 : memref<1x200x64xf32, #tpu.memory_space<vmem>> -> memref<200x64xf32, #tpu.memory_space<vmem>>
    %dma_wait3A_130 = arith.constant 0 : i32
    %dma_wait3A_131 = arith.constant 0 : i32
    %dma_wait3A_132 = tpu.memref_slice %arg4[%add3A_124, %dma_wait3A_130, %dma_wait3A_131] : memref<4096x200x128xf32, #tpu.memory_space<hbm>> -> memref<1x200x64xf32, #tpu.memory_space<hbm>>
    %dma_wait3A_133 = tpu.memref_squeeze %dma_wait3A_132 : memref<1x200x64xf32, #tpu.memory_space<hbm>> -> memref<200x64xf32, #tpu.memory_space<hbm>>
    %dma_wait3A_134 = arith.constant 0 : i32
    %dma_wait3A_135 = arith.constant 0 : i32
    %dma_wait3A_136 = tpu.memref_slice %arg4[%add3A_124, %dma_wait3A_134, %dma_wait3A_135] : memref<4096x200x128xf32, #tpu.memory_space<hbm>> -> memref<1x200x64xf32, #tpu.memory_space<hbm>>
    %dma_wait3A_137 = tpu.memref_squeeze %dma_wait3A_136 : memref<1x200x64xf32, #tpu.memory_space<hbm>> -> memref<200x64xf32, #tpu.memory_space<hbm>>
    %dma_wait3A_138 = arith.constant 200 : i32
    %dma_wait3A_139 = arith.constant 0 : i32
    %dma_wait3A_140 = tpu.memref_slice %arg6[%dma_wait3A_125, %dma_wait3A_138, %dma_wait3A_139] : memref<2x800x64xf32, #tpu.memory_space<vmem>> -> memref<1x200x64xf32, #tpu.memory_space<vmem>>
    %dma_wait3A_141 = tpu.memref_squeeze %dma_wait3A_140 : memref<1x200x64xf32, #tpu.memory_space<vmem>> -> memref<200x64xf32, #tpu.memory_space<vmem>>
    tpu.wait_dma2 semaphore(%arg10 : memref<!tpu.dma_semaphore, #tpu.memory_space<semaphore_mem>>) src(%dma_wait3A_141 : memref<200x64xf32, #tpu.memory_space<vmem>>) dst(%dma_wait3A_137 : memref<200x64xf32, #tpu.memory_space<hbm>>)
    %add3A_142 = arith.constant 2 : i32
    %add3A_143 = arith.addi %mul3A_4, %add3A_142 : i32
    %dma_wait3A_144 = arith.constant 1 : i32
    %dma_wait3A_145 = arith.constant 400 : i32
    %dma_wait3A_146 = arith.constant 0 : i32
    %dma_wait3A_147 = tpu.memref_slice %arg6[%dma_wait3A_144, %dma_wait3A_145, %dma_wait3A_146] : memref<2x800x64xf32, #tpu.memory_space<vmem>> -> memref<1x200x64xf32, #tpu.memory_space<vmem>>
    %dma_wait3A_148 = tpu.memref_squeeze %dma_wait3A_147 : memref<1x200x64xf32, #tpu.memory_space<vmem>> -> memref<200x64xf32, #tpu.memory_space<vmem>>
    %dma_wait3A_149 = arith.constant 0 : i32
    %dma_wait3A_150 = arith.constant 0 : i32
    %dma_wait3A_151 = tpu.memref_slice %arg4[%add3A_143, %dma_wait3A_149, %dma_wait3A_150] : memref<4096x200x128xf32, #tpu.memory_space<hbm>> -> memref<1x200x64xf32, #tpu.memory_space<hbm>>
    %dma_wait3A_152 = tpu.memref_squeeze %dma_wait3A_151 : memref<1x200x64xf32, #tpu.memory_space<hbm>> -> memref<200x64xf32, #tpu.memory_space<hbm>>
    %dma_wait3A_153 = arith.constant 0 : i32
    %dma_wait3A_154 = arith.constant 0 : i32
    %dma_wait3A_155 = tpu.memref_slice %arg4[%add3A_143, %dma_wait3A_153, %dma_wait3A_154] : memref<4096x200x128xf32, #tpu.memory_space<hbm>> -> memref<1x200x64xf32, #tpu.memory_space<hbm>>
    %dma_wait3A_156 = tpu.memref_squeeze %dma_wait3A_155 : memref<1x200x64xf32, #tpu.memory_space<hbm>> -> memref<200x64xf32, #tpu.memory_space<hbm>>
    %dma_wait3A_157 = arith.constant 400 : i32
    %dma_wait3A_158 = arith.constant 0 : i32
    %dma_wait3A_159 = tpu.memref_slice %arg6[%dma_wait3A_144, %dma_wait3A_157, %dma_wait3A_158] : memref<2x800x64xf32, #tpu.memory_space<vmem>> -> memref<1x200x64xf32, #tpu.memory_space<vmem>>
    %dma_wait3A_160 = tpu.memref_squeeze %dma_wait3A_159 : memref<1x200x64xf32, #tpu.memory_space<vmem>> -> memref<200x64xf32, #tpu.memory_space<vmem>>
    tpu.wait_dma2 semaphore(%arg10 : memref<!tpu.dma_semaphore, #tpu.memory_space<semaphore_mem>>) src(%dma_wait3A_160 : memref<200x64xf32, #tpu.memory_space<vmem>>) dst(%dma_wait3A_156 : memref<200x64xf32, #tpu.memory_space<hbm>>)
    %add3A_161 = arith.constant 3 : i32
    %add3A_162 = arith.addi %mul3A_4, %add3A_161 : i32
    %dma_wait3A_163 = arith.constant 1 : i32
    %dma_wait3A_164 = arith.constant 600 : i32
    %dma_wait3A_165 = arith.constant 0 : i32
    %dma_wait3A_166 = tpu.memref_slice %arg6[%dma_wait3A_163, %dma_wait3A_164, %dma_wait3A_165] : memref<2x800x64xf32, #tpu.memory_space<vmem>> -> memref<1x200x64xf32, #tpu.memory_space<vmem>>
    %dma_wait3A_167 = tpu.memref_squeeze %dma_wait3A_166 : memref<1x200x64xf32, #tpu.memory_space<vmem>> -> memref<200x64xf32, #tpu.memory_space<vmem>>
    %dma_wait3A_168 = arith.constant 0 : i32
    %dma_wait3A_169 = arith.constant 0 : i32
    %dma_wait3A_170 = tpu.memref_slice %arg4[%add3A_162, %dma_wait3A_168, %dma_wait3A_169] : memref<4096x200x128xf32, #tpu.memory_space<hbm>> -> memref<1x200x64xf32, #tpu.memory_space<hbm>>
    %dma_wait3A_171 = tpu.memref_squeeze %dma_wait3A_170 : memref<1x200x64xf32, #tpu.memory_space<hbm>> -> memref<200x64xf32, #tpu.memory_space<hbm>>
    %dma_wait3A_172 = arith.constant 0 : i32
    %dma_wait3A_173 = arith.constant 0 : i32
    %dma_wait3A_174 = tpu.memref_slice %arg4[%add3A_162, %dma_wait3A_172, %dma_wait3A_173] : memref<4096x200x128xf32, #tpu.memory_space<hbm>> -> memref<1x200x64xf32, #tpu.memory_space<hbm>>
    %dma_wait3A_175 = tpu.memref_squeeze %dma_wait3A_174 : memref<1x200x64xf32, #tpu.memory_space<hbm>> -> memref<200x64xf32, #tpu.memory_space<hbm>>
    %dma_wait3A_176 = arith.constant 600 : i32
    %dma_wait3A_177 = arith.constant 0 : i32
    %dma_wait3A_178 = tpu.memref_slice %arg6[%dma_wait3A_163, %dma_wait3A_176, %dma_wait3A_177] : memref<2x800x64xf32, #tpu.memory_space<vmem>> -> memref<1x200x64xf32, #tpu.memory_space<vmem>>
    %dma_wait3A_179 = tpu.memref_squeeze %dma_wait3A_178 : memref<1x200x64xf32, #tpu.memory_space<vmem>> -> memref<200x64xf32, #tpu.memory_space<vmem>>
    tpu.wait_dma2 semaphore(%arg10 : memref<!tpu.dma_semaphore, #tpu.memory_space<semaphore_mem>>) src(%dma_wait3A_179 : memref<200x64xf32, #tpu.memory_space<vmem>>) dst(%dma_wait3A_175 : memref<200x64xf32, #tpu.memory_space<hbm>>)
    return
  }
}

</mosaic_0001>

<sc_bundles>
// kernel: kernel.3.cloned.1.call-start
scs
__scs_entry_jumppad:
0x0: {  	(pc) =	sbr.rel $0x88, $3  }
0x1: {  	(tag) =	ssettag $0x0;
	lr =	simm.s32 $0x1  }
0x2: {  	[smem:$0x3F9F] =	sst lr;
	_ =	strace $0xD0000000  }
0x3: {  	_ = 	snop  }
0x4: {  	_ = 	snop  }
0x5: {  	_ = 	snop  }
0x6: {  	_ = 	snop  }
0x7: {  	_ = 	snop  }
__scs_overlays_trampoline_lowered:
0x8: {  	[smem:$0x3FAE] =	sst s0  }
0x9: {  	[smem:$0x3FAF] =	sst s1  }
0xa: {  	[smem:$0x3FB0] =	sst s2  }
0xb: {  	[smem:$0x3FB1] =	sst s3  }
0xc: {  	[smem:$0x3FB2] =	sst s4  }
0xd: {  	[smem:$0x3FB3] =	sst s5  }
0xe: {  	[smem:$0x3FB4] =	sst s6  }
0xf: {  	[smem:$0x3FB5] =	sst s7  }
0x10: {  	[smem:$0x3FB6] =	sst s8  }
0x11: {  	[smem:$0x3FB7] =	sst s9;
	s0 =	simm.s32 @!p0 $0x0  }
0x12: {  	s1 =	sld [smem:$0x3F9D];
	s0 =	simm.s32 @p0 $0x1  }
0x13: {  	[smem:$0x3FB8] =	sst s0;
	s0 =	simm.s32 @!p1 $0x0  }
0x14: {  	s2 =	sld [smem:$0x3F9C];
	s0 =	simm.s32 @p1 $0x1  }
0x15: {  	[smem:$0x3FB9] =	sst s0;
	s0 =	simm.s32 @!p2 $0x0  }
0x16: {  	s3 =	sld [smem:$0x3FDB];
	s0 =	simm.s32 @p2 $0x1  }
0x17: {  	s4 =	simm.s32 $0x1BF5;
	[smem:$0x3FBB] =	sst s0  }
0x18: {  	s0 =	sld [smem:$0x3F9E];
	_ =	swait.ge [sflag:s4], $0x0  }
0x19: {  	s7 =	sld [smem:$0x3F9F]  }
0x1a: {  	s8 =	sadd.s32 $0xFFFFE003, lr  }
0x1b: {  	s9 =	sadd.s32 $0xFFFFFEF7, lr;
	s5 =	simm.s32 $0xFFFFFFFF;
	p2 =	slt.u32 s8, $0xFFFFF086  }
0x1c: {  	p1 =	slt.u32 s9, $0xF7A;
	s5 =	simm.s32 @!p2 $0x0  }
0x1d: {  	s5 =	simm.s32 @p1 $0x1;
	p0 =	seq.s32 s7, s2  }
0x1e: {  	s7 =	smul.u32 @!p0 $0xF7A, s2;
	p2 =	seq.s32 @!p0 s5, $0x0  }
0x1f: {  	s9 =	smul.u32 $0xF7A, s1;
	s8 =	simm.s32 @!p0 $0x1BF5;
	p2 =	por !p2, p0  }
0x20: {  	[sflag:s8] =	ssyncset.s32 @!p0 $0xFFFFF086;
	s6 =	sadd.s32 @!p0 s3, s7;
	s7 =	simm.s32 @!p0 $0x108  }
0x21: {  	s3 =	sadd.s32 s3, s9;
	s6 =	sadd.s32 @!p0 $0x88, s6;
	s7 =	simm.s32 @p2 $0x1082  }
0x22: {  	[simem:s7], [sflag:s8] =	dma.local @!p0 [hbm:s6], $0xF7A  }
0x23: {  	s9 =	sor.u32 $0xD0000000, s2;
	s6 =	simm.s32 $0x108;
	_ =	swait.ge @!p0 [sflag:s8], $0x0  }
0x24: {  	s3 =	sadd.s32 $0x88, s3;
	s6 =	simm.s32 @!p1 $0x1082;
	[sflag:s4] =	ssyncset.s32 $0xFFFFF086  }
0x25: {  	[simem:s6], [sflag:s4] =	dma.local [hbm:s3], $0xF7A  }
0x26: {  	[smem:$0x3F9F] =	sst s1;
	(tag) =	ssettag s2;
	_ =	strace s9  }
0x27: {  	s1 =	sld [smem:$0x3FAF]  }
0x28: {  	s2 =	sld [smem:$0x3FB0]  }
0x29: {  	s4 =	sld [smem:$0x3FB2]  }
0x2a: {  	p0 =	seq.s32 s5, $0x0;
	s5 =	sld [smem:$0x3FB3]  }
0x2b: {  	s6 =	sld [smem:$0x3FB4]  }
0x2c: {  	s7 =	sld [smem:$0x3FB5]  }
0x2d: {  	s3 =	simm.s32 $0x108;
	s8 =	sld [smem:$0x3FB6]  }
0x2e: {  	s3 =	simm.s32 @!p0 $0x1082;
	s9 =	sld [smem:$0x3FB7]  }
0x2f: {  	lr =	sadd.s32 s0, s3;
	s0 =	sld [smem:$0x3FAE]  }
0x30: {  	s3 =	sld [smem:$0x3FB1]  }
0x31: {  	[smem:$0x3FBA] =	sst s10  }
0x32: {  	s10 =	sld [smem:$0x3FB8];
	_ =	sdelay $0x3  }
0x33: {  	p0 =	seq.s32 s10, $0x1;
	s10 =	sld [smem:$0x3FBA];
	_ =	sdelay $0x3  }
0x34: {  	[smem:$0x3FBA] =	sst s10  }
0x35: {  	s10 =	sld [smem:$0x3FB9];
	_ =	sdelay $0x3  }
0x36: {  	p1 =	seq.s32 s10, $0x1;
	s10 =	sld [smem:$0x3FBA];
	_ =	sdelay $0x3  }
0x37: {  	[smem:$0x3FBA] =	sst s10  }
0x38: {  	s10 =	sld [smem:$0x3FBB]  }
0x39: {  	_ = 	snop;
	(pc) =	sbr.ind lr, $3  }
0x3a: {  	_ = 	snop  }
0x3b: {  	_ = 	snop  }
0x3c: {  	p2 =	seq.s32 s10, $0x1;
	s10 =	sld [smem:$0x3FBA]  }
0x3d: {  	_ =	shalt  }
0x3e: {  	_ =	shalt  }
0x3f: {  	_ =	shalt  }
0x40: {  	_ =	shalt  }
0x41: {  	_ =	shalt  }
0x42: {  	_ =	shalt  }
0x43: {  	_ =	shalt  }
0x44: {  	_ =	shalt  }
0x45: {  	_ =	shalt  }
0x46: {  	_ =	shalt  }
0x47: {  	_ =	shalt  }
0x48: {  	_ =	shalt  }
0x49: {  	_ =	shalt  }
0x4a: {  	_ =	shalt  }
0x4b: {  	_ =	shalt  }
0x4c: {  	_ =	shalt  }
0x4d: {  	_ =	shalt  }
0x4e: {  	_ =	shalt  }
0x4f: {  	_ =	shalt  }
0x50: {  	_ =	shalt  }
0x51: {  	_ =	shalt  }
0x52: {  	_ =	shalt  }
0x53: {  	_ =	shalt  }
0x54: {  	_ =	shalt  }
0x55: {  	_ =	shalt  }
0x56: {  	_ =	shalt  }
0x57: {  	_ =	shalt  }
0x58: {  	_ =	shalt  }
0x59: {  	_ =	shalt  }
0x5a: {  	_ =	shalt  }
0x5b: {  	_ =	shalt  }
0x5c: {  	_ =	shalt  }
0x5d: {  	_ =	shalt  }
0x5e: {  	_ =	shalt  }
0x5f: {  	_ =	shalt  }
0x60: {  	_ =	shalt  }
0x61: {  	_ =	shalt  }
0x62: {  	_ =	shalt  }
0x63: {  	_ =	shalt  }
0x64: {  	_ =	shalt  }
0x65: {  	_ =	shalt  }
0x66: {  	_ =	shalt  }
0x67: {  	_ =	shalt  }
0x68: {  	_ =	shalt  }
0x69: {  	_ =	shalt  }
0x6a: {  	_ =	shalt  }
0x6b: {  	_ =	shalt  }
0x6c: {  	_ =	shalt  }
0x6d: {  	_ =	shalt  }
0x6e: {  	_ =	shalt  }
0x6f: {  	_ =	shalt  }
0x70: {  	_ =	shalt  }
0x71: {  	_ =	shalt  }
0x72: {  	_ =	shalt  }
0x73: {  	_ =	shalt  }
0x74: {  	_ =	shalt  }
0x75: {  	_ =	shalt  }
0x76: {  	_ =	shalt  }
0x77: {  	_ =	shalt  }
0x78: {  	_ =	shalt  }
0x79: {  	_ =	shalt  }
0x7a: {  	_ =	shalt  }
0x7b: {  	_ =	shalt  }
0x7c: {  	_ =	shalt  }
0x7d: {  	_ =	shalt  }
0x7e: {  	_ =	shalt  }
0x7f: {  	_ =	shalt  }
0x80: {  	_ =	shalt  }
0x81: {  	_ =	shalt  }
0x82: {  	_ =	shalt  }
0x83: {  	_ =	shalt  }
0x84: {  	_ =	shalt  }
0x85: {  	_ =	shalt  }
0x86: {  	_ =	shalt  }
0x87: {  	_ =	shalt  }
.Lfunc_end0:
.L_simem_size_0:
called_computation.1_lowered:
.L_overlay_start_0:
0x88: {  	s2 =	sld [smem:$0x3FD9]  }
0x89: {  	s3 =	sld [smem:$0x3FFE];
	_ =	sdelay $0x1  }
0x8a: {  	s1 =	srdreg.scid  }
0x8b: {  	s0 =	sand.u32 $0x1, s1  }
0x8c: {  	s17 =	sshll.u32 s0, $0xA;
	s2 =	sadd.s32 s3, s2  }
0x8d: {  	s2 =	sadd.s32 s2, s17  }
0x8e: {  	[smem:$0x3FC6] =	sst s2  }
0x8f: {  	_ = 	snop  }
0x90: {  	s2 =	sld [smem:$0x3FD0];
	(tm) =	ssettm $0x1  }
0x91: {  	s18 =	sld [smem:$0x3FFB];
	_ =	sdelay $0x3  }
0x92: {  	_ =	strace s18  }
0x93: {  	s3 =	sld [smem:$0x3FFC];
	_ =	sdelay $0x3  }
0x94: {  	_ =	strace s3  }
0x95: {  	s3 =	sld [smem:$0x3FFD];
	_ =	sdelay $0x3  }
0x96: {  	_ =	strace s3  }
0x97: {  	_ =	strace $0x8FFFFFFF  }
0x98: {  	s19 =	sld [smem:$0x3FDB];
	_ =	sdelay $0x1  }
0x99: {  	s4 =	simm.s32 $_scs_section_size  }
0x9a: {  	s5 =	simm.s32 $_size__tile_overlayer_lowered;
	s6 =	simm.s32 $_tile_overlayer_lowered  }
0x9b: {  	s22 =	simm.s32 $0x1BFF;
	s21 =	sshll.u32 s6, $0x1;
	s3 =	sadd.s32 s4, s19  }
0x9c: {  	s7 =	simm.s32 $0x0;
	s20 =	sshll.u32 s5, $0x1;
	s5 =	sadd.s32 s21, s3  }
0x9d: {  	[timem:s7], [sflag:s22] =	dma.local [hbm:s5], s20  }
0x9e: {  	_ =	swait.ge [sflag:s22], s20  }
0x9f: {  	s4 =	ssub.s32 $0x0, s20;
	[sflag:s22] =	ssyncset.done $0x0  }
0xa0: {  	[sflag:s22] =	ssyncadd.s32 s4;
	_ =	sdelay $0x1  }
0xa1: {  	s23 =	simm.s32 $0x1B8B  }
0xa2: {  	_ =	swait.ge [sflag:s23], $0x1  }
0xa3: {  	[sflag:s23] =	ssyncset.done $0x0  }
0xa4: {  	s25 =	simm.s32 $0x1B8E;
	s24 =	sld [smem:$0x3FFE];
	[sflag:s23] =	ssyncadd.s32 $0xFFFFFFFF  }
0xa5: {  	s26 =	simm.s32 $execute0_lowered;
	[smem:$0x3FD2] =	sst s25  }
0xa6: {  	s5 =	sshll.u32 s26, $0x1;
	_ =	strace $0x80000046;
	[dreg:$0x1] =	wrdreg $0xFFFFFFFF  }
0xa7: {  	s28 =	simm.s32 $_size_execute0_lowered;
	s3 =	sadd.s32 s3, s5;
	[dreg:$0x0] =	wrdreg $0x0  }
0xa8: {  	s5 =	sshll.u32 s28, $0x1;
	[dreg:$0x2] =	wrdreg s3  }
0xa9: {  	[dreg:$0x3] =	wrdreg s5  }
0xaa: {  	[dreg:$0x4] =	wrdreg $0xC0  }
0xab: {  	_ =	task [dreg:s7], $0x5FFFF  }
0xac: {  	[dreg:$0x1] =	wrdreg $0xFFFFFFFF  }
0xad: {  	[dreg:$0x0] =	wrdreg $0x60  }
0xae: {  	[dreg:$0x2] =	wrdreg s2  }
0xaf: {  	[dreg:$0x3] =	wrdreg s24  }
0xb0: {  	[dreg:$0x4] =	wrdreg $0x9  }
0xb1: {  	_ =	task.clear_ibuf [dreg:s7], $0x5FFFF;
	_ =	strace $0x90000046  }
0xb2: {  	s29 =	simm.s32 $0x9;
	_ =	strace $0x80000048  }
0xb3: {  	_ =	swait.ge [sflag:s29], $0x1  }
0xb4: {  	[sflag:s29] =	ssyncadd.s32 $0xFFFFFFFF  }
0xb5: {  	_ =	strace $0x90000048  }
0xb6: {  	_ =	sfence  }
0xb7: {  	s30 =	sld [smem:$0x0];
	_ =	sdelay $0x2  }
0xb8: {  	s31 =	sshll.u32 s1, $0xD;
	s1 =	sshrl.u32 s1, $0x2  }
0xb9: {  	s3 =	sand.u32 $0x4000, s31;
	s1 =	sadd.s32 s1, s30  }
0xba: {  	s0 =	sor.u32 s3, s0;
	s1 =	sshll.u32 s1, $0x11  }
0xbb: {  	s0 =	sor.u32 s1, s0  }
0xbc: {  	s0 =	sadd.s32 $0x8F2B, s0  }
0xbd: {  	[sflag:s0] =	ssyncadd.remote.s32 $0x1  }
0xbe: {  	_ =	sfence.sel $0xFFFF  }
0xbf: {  	[dreg:$0x0] =	wrdreg $0xFFFFFFFF;
	(pc) =	sbr.abs _section_cstart, $3  }
0xc0: {  	[dreg:$0x1] =	wrdreg $0xFFFFFFFF  }
0xc1: {  	_ =	task.clear_ibuf [dreg:s7], $0x2FFFF;
	_ =	strace $0x9FFFFFFF  }
0xc2: {  	(tm) =	ssettm $0x7FFFFFFF  }
0xc3: {  	_ =	shalt  }
tec
execute0_lowered:
.L_overlay_start_1:
0x0: {  	(tag) =	ssettag $0x1  }
0x1: {  	s0 =	rddreg [dreg:$0x0]  }
0x2: {  	s4 =	rddreg [dreg:$0x1];
	s3 =	srdreg.scid  }
0x3: {  	s1 =	stileid.u32;
	s2 =	simm.s32 $0x0;
	s14 =	simm.s32 $0x320  }
0x4: {  	s15 =	simm.s32 $0x6400;
	s16 =	simm.s32 $0x12C00;
	s28 =	simm.s32 $0x3  }
0x5: {  	s29 =	simm.s32 $0x4;
	s30 =	simm.s32 $0x0;
	s7 =	sand.u32 $0x1, s3  }
0x6: {  	s5 =	smul.u32 $0x640000, s1;
	[smem:$0x7FF] =	sst s2;
	s3 =	sadd.s32 $0xF42E00, s4  }
0x7: {  	s8 =	sshll.u32 s1, $0x1;
	s12 =	sadd.s32 $0xA00, s4;
	s23 =	smul.u32 $0xC8000, s1  }
0x8: {  	s6 =	smul.u32 $0x320000, s7;
	_ =	strace $0x80000047;
	s9 =	ssub.s32 $0x2, s7  }
0x9: {  	s8 =	sor.u32 s7, s8;
	s11 =	smul.u32 $0x64000, s7;
	s17 =	sshrl.u32 s9, $0x1  }
0xa: {  	s18 =	smul.u32 $0xC80, s8;
	s24 =	sadd.s32 s23, s12;
	s23 =	simm.s32 $0x2  }
0xb: {  	s10 =	sadd.s32 s6, s5;
	s5 =	ssub.s32 s9, s17;
	s9 =	sadd.s32 s11, s24  }
0xc: {  	s17 =	simm.s32 $0x1;
	s24 =	simm.s32 $0x15E00;
	s19 =	sadd.s32 $0x2BC00, s10  }
0xd: {  	s0 =	sadd.s32 s0, s18;
	s20 =	smax.u32 s5, $0x1;
	s21 =	sadd.s32 $0x25800, s10  }
0xe: {  	s22 =	sor.u32 $0x1F400, s10;
	s25 =	sor.u32 $0x12C00, s10;
	s26 =	sor.u32 $0xC800, s10  }
0xf: {  	s13 =	sor.u32 $0x6400, s10;
	s18 =	simm.s32 $0x40;
	[dreg:$0x3] =	wrdreg s0  }
0x10: {  	s8 =	sshrl.u32 s19, $0x3;
	[dreg:$0x4] =	wrdreg s20;
	s0 =	sshrl.u32 s21, $0x3  }
0x11: {  	s11 =	sshrl.u32 s26, $0x3;
	s31 =	sshrl.u32 s13, $0x3;
	s13 =	simm.s32 $0x5  }
.Ltmp0:
0x12: {  	s19 =	simm.s32 $0x80;
	s20 =	simm.s32 $0x9600;
	(pc) =	sbr.rel .LBB2_1-.Ltmp0, $4  }
0x13: {  	s21 =	simm.s32 $0xC800;
	s26 =	simm.s32 $0x1C200;
	s6 =	sadd.s32 s8, s12  }
0x14: {  	s8 =	sshrl.u32 s22, $0x3;
	s7 =	sadd.s32 s0, s12;
	s0 =	sshrl.u32 s25, $0x3  }
0x15: {  	s11 =	sadd.s32 s11, s12;
	s22 =	simm.s32 $0xFA00;
	s25 =	simm.s32 $0x19000  }
0x16: {  	s8 =	sadd.s32 s8, s12;
	s10 =	sadd.s32 s0, s12;
	s12 =	sadd.s32 s31, s12  }
.LBB2_4:
0x17: {  	_ =	swait.ge [sflag:s28], $0x3200  }
0x18: {  	[sflag:s28] =	ssyncset.done $0x0  }
0x19: {  	[sflag:s28] =	ssyncadd.s32 $0xFFFFCE00  }
0x1a: {  	_ =	swait.ge [sflag:s28], $0x3200  }
0x1b: {  	[sflag:s28] =	ssyncset.done $0x0  }
0x1c: {  	[sflag:s28] =	ssyncadd.s32 $0xFFFFCE00  }
0x1d: {  	_ =	swait.ge [sflag:s28], $0x3200  }
0x1e: {  	[sflag:s28] =	ssyncset.done $0x0  }
0x1f: {  	[sflag:s28] =	ssyncadd.s32 $0xFFFFCE00  }
0x20: {  	_ =	swait.ge [sflag:s28], $0x3200  }
0x21: {  	[sflag:s28] =	ssyncset.done $0x0  }
0x22: {  	[sflag:s28] =	ssyncadd.s32 $0xFFFFCE00  }
0x23: {  	_ =	swait.ge [sflag:s29], $0x3200  }
0x24: {  	[sflag:s29] =	ssyncset.done $0x0  }
0x25: {  	[sflag:s29] =	ssyncadd.s32 $0xFFFFCE00  }
0x26: {  	_ =	swait.ge [sflag:s29], $0x3200  }
0x27: {  	[sflag:s29] =	ssyncset.done $0x0  }
0x28: {  	[sflag:s29] =	ssyncadd.s32 $0xFFFFCE00  }
0x29: {  	_ =	swait.ge [sflag:s29], $0x3200  }
0x2a: {  	[sflag:s29] =	ssyncset.done $0x0  }
0x2b: {  	[sflag:s29] =	ssyncadd.s32 $0xFFFFCE00  }
0x2c: {  	_ =	swait.ge [sflag:s29], $0x3200  }
0x2d: {  	s30 =	sadd.s32 $0x1, s30;
	s0 =	rddreg [dreg:$0x4]  }
0x2e: {  	p0 =	sne.s32 s30, s0  }
.Ltmp1:
0x2f: {  	_ = 	snop;
	(pc) =	sbr.rel @!p0 .LBB2_5-.Ltmp1, $3  }
0x30: {  	_ =	sdelay $0x1  }
0x31: {  	[sflag:s29] =	ssyncset.done $0x0  }
0x32: {  	[sflag:s29] =	ssyncadd.s32 $0xFFFFCE00  }
.LBB2_1:
0x33: {  	s0 =	simm.s32 $0x0;
	s1 =	rddreg [dreg:$0x3]  }
0x34: {  	[tilespmem:s0], [sflag:$0x5] =	stream.linear.gather [hbm4b:s1+s0], $0x6400, $0x38;
	[tilespmem:$0x1F400] =	vst v63  }
0x35: {  	_ =	swait.ge [sflag:s13], $0x6400  }
0x36: {  	[sflag:s13] =	ssyncset.done $0x0  }
0x37: {  	[sflag:s13] =	ssyncadd.s32 $0xFFFF9C00  }
0x38: {  	[tilespmem:s15], [sflag:$0x1] =	stream.indirect.gather [hbm4b:s3+s14], $0x40, s0, s14, $0xb8;
	[tilespmem:$0x1F400] =	vst v63  }
0x39: {  	s31 =	simm.s32 $0x960;
	s0 =	simm.s32 $0x0  }
0x3a: {  	[tilespmem:s16], [sflag:$0x2] =	stream.indirect.gather [hbm4b:s3+s14], $0x40, s14, s14, $0xb8;
	[tilespmem:$0x1F400] =	vst v63  }
.LBB2_2:
0x3b: {  	_ =	swait.ge [sflag:s17], $0xC800  }
0x3c: {  	[sflag:s17] =	ssyncset.done $0x0  }
0x3d: {  	s1 =	sadd.s32 s0, s9;
	[sflag:s17] =	ssyncadd.s32 $0xFFFF3800  }
0x3e: {  	[hbm4b:s1+s18] =	stream.strided.scatter [tilespmem:s15], [sflag:$0x3], $0x3200, s19, s18, $0x38;
	[tilespmem:$0x1F400] =	vst v63  }
0x3f: {  	s2 =	sadd.s32 s0, s12  }
0x40: {  	[hbm4b:s2+s18] =	stream.strided.scatter [tilespmem:s20], [sflag:$0x3], $0x3200, s19, s18, $0x38;
	[tilespmem:$0x1F400] =	vst v63  }
0x41: {  	s4 =	sadd.s32 s0, s11;
	p0 =	seq.s32 s0, $0x5DC00  }
0x42: {  	[hbm4b:s4+s18] =	stream.strided.scatter [tilespmem:s21], [sflag:$0x3], $0x3200, s19, s18, $0x38;
	[tilespmem:$0x1F400] =	vst v63  }
0x43: {  	s5 =	sadd.s32 s0, s10;
	s2 =	simm.s32 @!p0 $0x3  }
0x44: {  	[hbm4b:s5+s18] =	stream.strided.scatter [tilespmem:s22], [sflag:$0x3], $0x3200, s19, s18, $0x38;
	[tilespmem:$0x1F400] =	vst v63  }
0x45: {  	_ =	swait.ge @!p0 [sflag:s2], $0x3200  }
0x46: {  	[sflag:s2] =	ssyncset.done @!p0 $0x0  }
0x47: {  	[sflag:s2] =	ssyncadd.s32 @!p0 $0xFFFFCE00  }
0x48: {  	_ =	swait.ge @!p0 [sflag:s2], $0x3200  }
0x49: {  	[sflag:s2] =	ssyncset.done @!p0 $0x0  }
0x4a: {  	[sflag:s2] =	ssyncadd.s32 @!p0 $0xFFFFCE00  }
0x4b: {  	_ =	swait.ge @!p0 [sflag:s2], $0x3200  }
0x4c: {  	[sflag:s2] =	ssyncset.done @!p0 $0x0  }
0x4d: {  	[sflag:s2] =	ssyncadd.s32 @!p0 $0xFFFFCE00  }
0x4e: {  	_ =	swait.ge @!p0 [sflag:s2], $0x3200  }
0x4f: {  	s4 =	simm.s32 @!p0 $0x320;
	[sflag:s2] =	ssyncset.done @!p0 $0x0  }
0x50: {  	s5 =	simm.s32 @!p0 $0x6400;
	[sflag:s2] =	ssyncadd.s32 @!p0 $0xFFFFCE00;
	s2 =	sadd.s32 @!p0 $0xFFFFFCE0, s31  }
0x51: {  	[tilespmem:s5], [sflag:$0x1] =	stream.indirect.gather @!p0 [hbm4b:s3+s4], $0x40, s2, s4, $0xb8;
	[tilespmem:$0x1F400] =	vst v63  }
0x52: {  	_ =	swait.ge [sflag:s23], $0xC800  }
0x53: {  	[sflag:s23] =	ssyncset.done $0x0  }
0x54: {  	s1 =	sadd.s32 $0x3200, s1;
	[sflag:s23] =	ssyncadd.s32 $0xFFFF3800  }
0x55: {  	[hbm4b:s1+s18] =	stream.strided.scatter [tilespmem:s16], [sflag:$0x4], $0x3200, s19, s18, $0x38;
	[tilespmem:$0x1F400] =	vst v63  }
0x56: {  	s2 =	sadd.s32 s0, s8  }
0x57: {  	[hbm4b:s2+s18] =	stream.strided.scatter [tilespmem:s24], [sflag:$0x4], $0x3200, s19, s18, $0x38;
	[tilespmem:$0x1F400] =	vst v63  }
.Ltmp2:
0x58: {  	_ = 	snop;
	(pc) =	sbr.rel @p0 .LBB2_4-.Ltmp2, $4  }
0x59: {  	s4 =	sadd.s32 s0, s7  }
0x5a: {  	[hbm4b:s4+s18] =	stream.strided.scatter [tilespmem:s25], [sflag:$0x4], $0x3200, s19, s18, $0x38;
	[tilespmem:$0x1F400] =	vst v63  }
0x5b: {  	s5 =	sadd.s32 s0, s6  }
0x5c: {  	[hbm4b:s5+s18] =	stream.strided.scatter [tilespmem:s26], [sflag:$0x4], $0x3200, s19, s18, $0x38;
	[tilespmem:$0x1F400] =	vst v63  }
0x5d: {  	_ =	swait.ge [sflag:s29], $0x3200  }
0x5e: {  	[sflag:s29] =	ssyncset.done $0x0  }
0x5f: {  	[sflag:s29] =	ssyncadd.s32 $0xFFFFCE00  }
0x60: {  	_ =	swait.ge [sflag:s29], $0x3200  }
0x61: {  	[sflag:s29] =	ssyncset.done $0x0  }
0x62: {  	[sflag:s29] =	ssyncadd.s32 $0xFFFFCE00  }
0x63: {  	_ =	swait.ge [sflag:s29], $0x3200  }
0x64: {  	[sflag:s29] =	ssyncset.done $0x0  }
0x65: {  	[sflag:s29] =	ssyncadd.s32 $0xFFFFCE00  }
.Ltmp3:
0x66: {  	_ =	swait.ge [sflag:s29], $0x3200;
	(pc) =	sbr.rel .LBB2_2-.Ltmp3, $4  }
0x67: {  	[sflag:s29] =	ssyncset.done $0x0  }
0x68: {  	[sflag:s29] =	ssyncadd.s32 $0xFFFFCE00  }
0x69: {  	[tilespmem:s16], [sflag:$0x2] =	stream.indirect.gather [hbm4b:s3+s14], $0x40, s31, s14, $0xb8;
	[tilespmem:$0x1F400] =	vst v63  }
0x6a: {  	s0 =	sadd.s32 $0x6400, s0;
	s31 =	sadd.s32 $0x640, s31  }
.LBB2_5:
0x6b: {  	_ =	sfence.sel $0x180000  }
0x6c: {  	[bflag:$0x0] =	sbarrier.arrive $0xFFFF  }
0x6d: {  	_ =	strace $0x90000047  }
0x6e: {  	s0 =	stileid.u32;
	[bflag:$0x2] =	sbarrier.arrive $0xFFFF  }
0x6f: {  	p0 =	sne.s32 s0, $0x0;
	s0 =	rddreg [dreg:$0x2]  }
0x70: {  	s0 =	sadd.s32 @!p0 $0x100000, s0  }
0x71: {  	[sflag:s0] =	ssyncadd.tile.s32 @!p0 $0x1;
	_ =	shalt  }
.Lfunc_end2:
_tile_overlayer_lowered:
.L_overlay_start_2:
0x72: {  	(tag) =	ssettag $0x2  }
0x73: {  	s0 =	rddreg [dreg:$0x0];
	s2 =	stileid.u32  }
0x74: {  	s1 =	rddreg [dreg:$0x1];
	p0 =	sne.s32 s2, $0x0  }
0x75: {  	s3 =	rddreg [dreg:$0x2];
	[bflag:$0x3] =	sbarrier.arrive $0xFFFF;
	s2 =	simm.s32 @!p0 $0x1C05  }
0x76: {  	[timem:s3], [sflag:s2] =	dma.local @!p0 [hbm:s0], s1  }
0x77: {  	s0 =	simm.s32 @!p0 $0x5  }
0x78: {  	_ =	swait.ge @!p0 [sflag:s0], s1  }
0x79: {  	s1 =	ssub.s32 @!p0 $0x0, s1;
	[sflag:s0] =	ssyncset.done @!p0 $0x0  }
0x7a: {  	[sflag:s0] =	ssyncadd.s32 @!p0 s1  }
0x7b: {  	[bflag:$0x3] =	sbarrier.arrive $0xFFFF  }
0x7c: {  	_ =	shalt  }

// kernel: sparse-core-data-format-call.cloned.1.call-start
scs
called_computation_lowered:
.L_overlay_start_0:
0x0: {  	s2 =	sld [smem:$0x3FD9]  }
0x1: {  	s3 =	sld [smem:$0x3FFE];
	_ =	sdelay $0x1  }
0x2: {  	s1 =	srdreg.scid  }
0x3: {  	s0 =	sand.u32 $0x1, s1  }
0x4: {  	s18 =	sshll.u32 s0, $0xA;
	s2 =	sadd.s32 s3, s2  }
0x5: {  	s2 =	sadd.s32 s2, s18  }
0x6: {  	[smem:$0x3FC6] =	sst s2  }
0x7: {  	_ = 	snop  }
0x8: {  	s2 =	sld [smem:$0x3FD0];
	(tm) =	ssettm $0x1  }
0x9: {  	s19 =	sld [smem:$0x3FFB];
	_ =	sdelay $0x3  }
0xa: {  	_ =	strace s19  }
0xb: {  	s3 =	sld [smem:$0x3FFC];
	_ =	sdelay $0x3  }
0xc: {  	_ =	strace s3  }
0xd: {  	s3 =	sld [smem:$0x3FFD];
	_ =	sdelay $0x3  }
0xe: {  	_ =	strace s3  }
0xf: {  	_ =	strace $0x8FFFFFFF  }
0x10: {  	s20 =	sld [smem:$0x3FDB];
	_ =	sdelay $0x1  }
0x11: {  	s4 =	simm.s32 $_scs_section_size  }
0x12: {  	s5 =	simm.s32 $_size__tile_overlayer_lowered;
	s6 =	simm.s32 $_tile_overlayer_lowered  }
0x13: {  	s23 =	simm.s32 $0x1BFF;
	s22 =	sshll.u32 s6, $0x1;
	s3 =	sadd.s32 s4, s20  }
0x14: {  	s7 =	simm.s32 $0x0;
	s21 =	sshll.u32 s5, $0x1;
	s5 =	sadd.s32 s22, s3  }
0x15: {  	[timem:s7], [sflag:s23] =	dma.local [hbm:s5], s21  }
0x16: {  	_ =	swait.ge [sflag:s23], s21  }
0x17: {  	s4 =	ssub.s32 $0x0, s21;
	[sflag:s23] =	ssyncset.done $0x0  }
0x18: {  	[sflag:s23] =	ssyncadd.s32 s4;
	_ =	sdelay $0x1  }
0x19: {  	s24 =	simm.s32 $0x1B8B  }
0x1a: {  	_ =	swait.ge [sflag:s24], $0x1  }
0x1b: {  	[sflag:s24] =	ssyncset.done $0x0  }
0x1c: {  	s26 =	simm.s32 $0x1B8E;
	s25 =	sld [smem:$0x3FFE];
	[sflag:s24] =	ssyncadd.s32 $0xFFFFFFFF  }
0x1d: {  	s27 =	simm.s32 $execute0_lowered;
	[smem:$0x3FD2] =	sst s26  }
0x1e: {  	s5 =	sshll.u32 s27, $0x1;
	_ =	strace $0x80000049;
	[dreg:$0x1] =	wrdreg $0xFFFFFFFF  }
0x1f: {  	s28 =	simm.s32 $_size_execute0_lowered;
	s3 =	sadd.s32 s3, s5;
	[dreg:$0x0] =	wrdreg $0x0  }
0x20: {  	s5 =	sshll.u32 s28, $0x1;
	[dreg:$0x2] =	wrdreg s3  }
0x21: {  	[dreg:$0x3] =	wrdreg s5  }
0x22: {  	[dreg:$0x4] =	wrdreg $0xC0  }
0x23: {  	_ =	task [dreg:s7], $0x5FFFF  }
0x24: {  	[dreg:$0x1] =	wrdreg $0xFFFFFFFF  }
0x25: {  	[dreg:$0x0] =	wrdreg $0x60  }
0x26: {  	[dreg:$0x2] =	wrdreg s25  }
0x27: {  	[dreg:$0x3] =	wrdreg s2  }
0x28: {  	[dreg:$0x4] =	wrdreg $0x9  }
0x29: {  	_ =	task.clear_ibuf [dreg:s7], $0x5FFFF;
	_ =	strace $0x90000049  }
0x2a: {  	s29 =	simm.s32 $0x9;
	_ =	strace $0x8000004B  }
0x2b: {  	_ =	swait.ge [sflag:s29], $0x1  }
0x2c: {  	[sflag:s29] =	ssyncadd.s32 $0xFFFFFFFF  }
0x2d: {  	_ =	strace $0x9000004B  }
0x2e: {  	_ =	sfence  }
0x2f: {  	s30 =	sld [smem:$0x0];
	_ =	sdelay $0x2  }
0x30: {  	s31 =	sshll.u32 s1, $0xD;
	s1 =	sshrl.u32 s1, $0x2  }
0x31: {  	s3 =	sand.u32 $0x4000, s31;
	s1 =	sadd.s32 s1, s30  }
0x32: {  	s0 =	sor.u32 s3, s0;
	s1 =	sshll.u32 s1, $0x11  }
0x33: {  	s0 =	sor.u32 s1, s0  }
0x34: {  	s0 =	sadd.s32 $0x8F2B, s0  }
0x35: {  	[sflag:s0] =	ssyncadd.remote.s32 $0x1  }
0x36: {  	_ =	sfence.sel $0xFFFF  }
0x37: {  	[dreg:$0x0] =	wrdreg $0xFFFFFFFF;
	(pc) =	sbr.abs _section_cstart, $3  }
0x38: {  	[dreg:$0x1] =	wrdreg $0xFFFFFFFF  }
0x39: {  	_ =	task.clear_ibuf [dreg:s7], $0x2FFFF;
	_ =	strace $0x9FFFFFFF  }
0x3a: {  	(tm) =	ssettm $0x7FFFFFFF  }
0x3b: {  	_ =	shalt  }
tec
execute0_lowered:
.L_overlay_start_1:
0x0: {  	(tag) =	ssettag $0x1  }
0x1: {  	s0 =	srdreg.scid  }
0x2: {  	s1 =	sshll.u32 s0, $0x4  }
0x3: {  	s0 =	stileid.u32;
	s1 =	sand.u32 $0x10, s1  }
0x4: {  	s1 =	sor.u32 s0, s1  }
0x5: {  	s6 =	rddreg [dreg:$0x0];
	s4 =	simm.s32 $0x1;
	s2 =	sshll.u32 s1, $0x7  }
0x6: {  	s7 =	simm.s32 $0x2;
	s12 =	simm.s32 $0x0;
	s1 =	ssub.s32 $0x1000, s2  }
0x7: {  	s8 =	simm.s32 $0x8000;
	s13 =	simm.s32 $0x0;
	s3 =	sand.u32 $0xF80, s1  }
0x8: {  	s9 =	simm.s32 $0x0;
	s5 =	sshrl.u32 s1, $0xC;
	p0 =	sne.s32 s3, $0x0  }
.Ltmp0:
0x9: {  	s1 =	rddreg [dreg:$0x2];
	s4 =	simm.s32 @!p0 $0x0;
	(pc) =	sbr.rel .LBB1_1-.Ltmp0, $4  }
0xa: {  	s11 =	simm.s32 $0x0;
	s3 =	rddreg [dreg:$0x1];
	s5 =	sadd.s32 s4, s5  }
0xb: {  	_ =	strace $0x8000004A;
	s4 =	simm.s32 $0x1;
	s5 =	smul.u32 $0xC8, s5  }
0xc: {  	s6 =	sadd.s32 $0xA00, s6;
	s10 =	smov.u32 s2;
	[sflag:s4] =	ssyncpa.u1 $0x0  }
0xd: {  	p0 =	por $0x0, $0x0;
	[sflag:s7] =	ssyncpa.u1 $0x0;
	s7 =	sor.u32 $0x1, s5  }
.LBB1_4:
0xe: {  	s16 =	sshll.u32 s13, $0x3;
	s17 =	sand.u32 $0x78, s13  }
0xf: {  	s30 =	sand.u32 $0x7E00, s13;
	s12 =	sshll.u32 s12, $0xF;
	s16 =	sand.u32 $0xC00, s16  }
0x10: {  	[tilespmem:s15+$0x810 ss:$0x81] =	vst.msk $0xffff, v2;
	s31 =	sand.u32 $0x7, s13;
	s16 =	sor.u32 s17, s16;
	s17 =	sadd.s32 s3, s30  }
0x11: {  	[tilespmem:s15+$0x1020 ss:$0x81] =	vst.msk $0xffff, v0;
	s13 =	sshll.u32 s31, $0x12;
	s12 =	sadd.s32 s12, s17;
	s16 =	sshrl.u32 s16, $0x3  }
0x12: {  	[tilespmem:s15+$0x0 ss:$0x81] =	vst.msk $0xffff, v1;
	s13 =	sor.u32 $0x400, s13;
	s12 =	sadd.s32 s16, s12  }
0x13: {  	[hbm4b:s12+s13] =	stream.strided.scatter [tilespmem:s14], [sflag:$0x2], $0x2000, s8, s13, $0x20;
	[tilespmem:$0x8080] =	vst v63  }
.LBB1_5:
0x14: {  	s14 =	sadd.s32 $0x1, s9  }
0x15: {  	s12 =	sadd.s32 $0x1000, s10;
	s16 =	smov.u32 s10;
	p2 =	sgt.s32 s14, $0xC7  }
0x16: {  	s16 =	smov.u32 @p2 s12  }
0x17: {  	s14 =	simm.s32 @p2 $0x0;
	p2 =	sgt.s32 s16, $0xFFF  }
0x18: {  	s16 =	smov.u32 @p2 s2;
	p2 =	sne.s32 s11, s7  }
.Ltmp1:
0x19: {  	p1 =	slt.u32 s11, $0x2;
	(pc) =	sbr.rel @!p2 .LBB1_6-.Ltmp1, $4  }
0x1a: {  	s15 =	simm.s32 @!p1 $0x2  }
0x1b: {  	s13 =	smov.u32 s10;
	p0 =	por !p0, !p0;
	_ =	swait.ge @!p1 [sflag:s15], $0x2000  }
0x1c: {  	s12 =	smov.u32 s9;
	[sflag:s15] =	ssyncset.done @!p1 $0x0;
	s9 =	smov.u32 s14  }
0x1d: {  	s11 =	sadd.s32 $0x1, s11;
	[sflag:s15] =	ssyncadd.s32 @!p1 $0xFFFFE000;
	s10 =	smov.u32 s16  }
.LBB1_1:
0x1e: {  	p1 =	sge.u32 s11, s5  }
0x1f: {  	s14 =	sand.u32 @!p1 $0x1FFFFFF, s9  }
0x20: {  	s15 =	smulhi.u32 @!p1 $0x147AE15, s14;
	_ =	sdelay $0x1  }
0x21: {  	s15 =	smul.u32 @!p1 $0xC8, s15  }
0x22: {  	s16 =	sxor.u32 @!p1 $0xFFFFFFFF, s11;
	s17 =	smul.u32 @!p1 $0xC80, s10  }
0x23: {  	s31 =	sadd.s32 $0xFFFFFFFF, s11;
	s16 =	sshll.u32 @!p1 s16, $0xD;
	s14 =	ssub.s32 @!p1 s14, s15  }
0x24: {  	s15 =	sand.u32 @!p1 $0x2000, s16;
	s16 =	sadd.s32 @!p1 s6, s17;
	s14 =	sshll.u32 @!p1 s14, $0x4  }
0x25: {  	s17 =	simm.s32 @!p1 $0x6400;
	s14 =	sadd.s32 @!p1 s14, s16;
	s16 =	simm.s32 @!p1 $0x40  }
0x26: {  	[tilespmem:s15], [sflag:$0x1] =	stream.strided.gather @!p1 [hbm4b:s14+s16], $0x2000, s17, s16, $0x38;
	[tilespmem:$0x8080] =	vst v63  }
0x27: {  	p1 =	sge.u32 s31, s5  }
.Ltmp2:
0x28: {  	_ = 	snop;
	(pc) =	sbr.rel @p1 .LBB1_5-.Ltmp2, $1  }
0x29: {  	_ =	sdelay $0x3  }
0x2a: {  	s14 =	simm.s32 $0x1  }
0x2b: {  	_ =	swait.ge [sflag:s4], $0x2000;
	s14 =	simm.s32 @!p0 $0x0  }
0x2c: {  	[sflag:s4] =	ssyncset.done $0x0;
	s15 =	sshll.u32 s14, $0xD  }
0x2d: {  	[sflag:s4] =	ssyncadd.s32 $0xFFFFE000;
	s18 =	sor.u32 $0x20, s15  }
0x2e: {  	s14 =	smul.u32 $0x8100, s14;
	v3 =	vld [tilespmem:s18+$0x10]  }
0x2f: {  	s30 =	sand.u32 $0x1, s11;
	v2 =	vld [tilespmem:s18+$0xFFFFFFF0]  }
0x30: {  	s15 =	smul.u32 $0x8100, s30;
	s14 =	sshrl.u32 s14, $0x2;
	v0 =	vld [tilespmem:s18+$0x0]  }
0x31: {  	v1 =	vld [tilespmem:s18+$0xFFFFFFE0];
	s16 =	sor.u32 $0x4000, s14  }
0x32: {  	s31 =	sshrl.u32 s15, $0x2;
	s15 =	sadd.s32 $0x0, s16  }
0x33: {  	s17 =	simm.s32 $0x4;
	s18 =	sadd.s32 $0x40, s18;
	s14 =	sor.u32 $0x4000, s31;
	[tilespmem:s15+$0x1830 ss:$0x81] =	vst.msk $0xffff, v3  }
.LBB1_3:
0x34: {  	v3 =	vld [tilespmem:s18+$0x10];
	p1 =	sne.s32 s17, $0x1FC;
	[tilespmem:s15+$0x810 ss:$0x81] =	vst.msk $0xffff, v2;
	s19 =	smov.u32 s17;
	s17 =	sadd.s32 $0x4, s17  }
.Ltmp3:
0x35: {  	v2 =	vld [tilespmem:s18+$0xFFFFFFF0];
	[tilespmem:s15+$0x1020 ss:$0x81] =	vst.msk $0xffff, v0;
	(pc) =	sbr.rel @p1 .LBB1_3-.Ltmp3, $4  }
0x36: {  	v0 =	vld [tilespmem:s18+$0x0];
	[tilespmem:s15+$0x0 ss:$0x81] =	vst.msk $0xffff, v1  }
0x37: {  	s15 =	sshra.s32 s19, $0x2;
	v1 =	vld [tilespmem:s18+$0xFFFFFFE0]  }
0x38: {  	s15 =	sadd.s32 s15, s16  }
0x39: {  	s18 =	sadd.s32 $0x40, s18;
	[tilespmem:s15+$0x1830 ss:$0x81] =	vst.msk $0xffff, v3  }
.Ltmp4:
0x3a: {  	_ = 	snop;
	(pc) =	sbr.rel .LBB1_4-.Ltmp4, $1  }
0x3b: {  	_ =	sdelay $0x3  }
.LBB1_6:
0x3c: {  	_ =	sfence.sel $0x180000  }
0x3d: {  	s2 =	simm.s32 $0x1;
	[bflag:$0x0] =	sbarrier.arrive $0xFFFF  }
0x3e: {  	s31 =	simm.s32 $0x2;
	[sflag:s2] =	ssyncpa.u1 $0x1  }
0x3f: {  	[sflag:s31] =	ssyncpa.u1 $0x1  }
0x40: {  	p0 =	sne.s32 s0, $0x0;
	_ =	strace $0x9000004A  }
0x41: {  	s0 =	sadd.s32 @!p0 $0x100000, s1;
	[bflag:$0x2] =	sbarrier.arrive $0xFFFF  }
0x42: {  	[sflag:s0] =	ssyncadd.tile.s32 @!p0 $0x1;
	_ =	shalt  }
.Lfunc_end1:
_tile_overlayer_lowered:
.L_overlay_start_2:
0x43: {  	(tag) =	ssettag $0x2  }
0x44: {  	s0 =	rddreg [dreg:$0x0];
	s2 =	stileid.u32  }
0x45: {  	s1 =	rddreg [dreg:$0x1];
	p0 =	sne.s32 s2, $0x0  }
0x46: {  	s3 =	rddreg [dreg:$0x2];
	[bflag:$0x3] =	sbarrier.arrive $0xFFFF;
	s2 =	simm.s32 @!p0 $0x1C01  }
0x47: {  	[timem:s3], [sflag:s2] =	dma.local @!p0 [hbm:s0], s1  }
0x48: {  	s0 =	simm.s32 @!p0 $0x1  }
0x49: {  	_ =	swait.ge @!p0 [sflag:s0], s1  }
0x4a: {  	s1 =	ssub.s32 @!p0 $0x0, s1;
	[sflag:s0] =	ssyncset.done @!p0 $0x0  }
0x4b: {  	[sflag:s0] =	ssyncadd.s32 @!p0 s1  }
0x4c: {  	[bflag:$0x3] =	sbarrier.arrive $0xFFFF  }
0x4d: {  	_ =	shalt  }

</sc_bundles>
